<compile_context>
chip_gen: v7x
topology: tpu7x:2x2x1
jax: 0.10.2.dev20260603
libtpu: 0.0.44.dev20260713+nightly
codegen_flags: <defaults>
</compile_context>

<pallas_src>
import jax
import jax.numpy as jnp
from jax import lax
from jax.experimental import pallas as pl
from jax.experimental.pallas import tpu as pltpu
from jax.experimental.pallas import tpu_sc as plsc

_BOS = 101
_EOS = 102
_M = 2048
_B, _S, _L = 16, 2, 4096
_LANES = 16
_NC, _NS = 2, 16
_LOUT = 2064
_NCHUNK = _L // _LANES
_CNT_UNROLL = 8
_SCAT_UNROLL = 4


def _preproc_body(x_hbm, out_hbm, row_v, out_v):
    c = lax.axis_index("c")
    s = lax.axis_index("s")
    wid = s * _NC + c

    @pl.when(wid < _B)
    def _():
        b = wid
        pltpu.sync_copy(x_hbm.at[b], row_v)

        lane = lax.iota(jnp.int32, _LANES)
        zero_v = jnp.zeros((_LANES,), jnp.int32)

        def count_seg(base):
            def cond(carry):
                j, cnt = carry
                return (j < _NCHUNK) & (cnt < _M)

            def body(carry):
                j, cnt = carry
                acc = zero_v
                for k in range(_CNT_UNROLL):
                    v = row_v[pl.ds(base + (j + jnp.int32(k)) * jnp.int32(_LANES), _LANES)]
                    acc = acc + plsc.all_reduce_population_count(v != 0)
                return j + jnp.int32(_CNT_UNROLL), cnt + jnp.max(acc)

            _, cnt = lax.while_loop(cond, body, (jnp.int32(0), jnp.int32(0)))
            return cnt

        l0 = count_seg(jnp.int32(0))
        l1 = count_seg(jnp.int32(_L))

        t0 = jnp.minimum(l0, jnp.where(2 * l1 >= _M, (_M + 1) // 2, _M - l1))
        t1 = jnp.minimum(l1, jnp.where(2 * l0 >= _M, _M // 2, _M - l0))

        def typ_fill(j, carry):
            p = j * jnp.int32(_LANES) + lane
            typ = jnp.where((p > t0 + 1) & (p <= t0 + t1 + 2),
                            jnp.int32(1), jnp.int32(0))
            out_v[pl.ds(jnp.int32(_LOUT) + j * jnp.int32(_LANES), _LANES)] = typ
            return carry

        lax.fori_loop(jnp.int32(0), jnp.int32(_LOUT // _LANES), typ_fill,
                      jnp.int32(0))

        def zero_fill(j, carry):
            out_v[pl.ds(j * jnp.int32(_LANES), _LANES)] = zero_v
            return carry

        lax.fori_loop((t0 + t1 + 3) // jnp.int32(_LANES),
                      jnp.int32(_LOUT // _LANES), zero_fill, jnp.int32(0))

        def scatter_seg(base, out_base, limit):
            def cond(carry):
                j, off = carry
                return (j < _NCHUNK) & (jnp.max(off) < limit)

            def body(carry):
                j, off = carry
                for k in range(_SCAT_UNROLL):
                    v = row_v[pl.ds(base + (j + jnp.int32(k)) * jnp.int32(_LANES), _LANES)]
                    m = v != 0
                    pos = plsc.cumsum(m.astype(jnp.int32)) + off
                    plsc.store_scatter(out_v, [out_base + pos - 1], v,
                                       mask=m & (pos <= limit))
                    off = off + plsc.all_reduce_population_count(m)
                return j + jnp.int32(_SCAT_UNROLL), off

            lax.while_loop(cond, body, (jnp.int32(0), zero_v))

        scatter_seg(jnp.int32(0), jnp.int32(1), t0)
        scatter_seg(jnp.int32(_L), t0 + 2, t1)

        sep_idx = jnp.where(lane == 0, jnp.int32(0),
                  jnp.where(lane == 1, t0 + 1, t0 + t1 + 2))
        sep_val = jnp.where(lane == 0, jnp.int32(_BOS), jnp.int32(_EOS))
        plsc.store_scatter(out_v, [sep_idx], sep_val, mask=lane < 3)

        pltpu.sync_copy(out_v, out_hbm.at[b])


def kernel(inputs):
    x2d = inputs.astype(jnp.int32).reshape(_B, _S * _L)
    mesh = plsc.VectorSubcoreMesh(
        core_axis_name="c", subcore_axis_name="s", num_cores=_NC, num_subcores=_NS
    )
    f = pl.kernel(
        _preproc_body,
        out_type=jax.ShapeDtypeStruct((_B, 2 * _LOUT), jnp.int32),
        mesh=mesh,
        compiler_params=pltpu.CompilerParams(
            needs_layout_passes=False, use_tc_tiling_on_sc=True),
        scratch_types=[
            pltpu.VMEM((_S * _L,), jnp.int32),
            pltpu.VMEM((2 * _LOUT,), jnp.int32),
        ],
    )
    out = f(x2d)
    odt = inputs.dtype
    ncol = _M + 3
    return (out[:, :ncol].astype(odt),
            out[:, _LOUT:_LOUT + ncol].astype(odt))

# --- scband reference (transcript-rebuilt; emitter-appended) ---
"""Pipeline reference for scband-preprocessing-layer-21895743275156 (READ-ONLY COPY).

The authoritative reference and input builder live on the scoring server;
editing this copy changes nothing except your own understanding.
"""

import jax, jax.numpy as jnp
import numpy as np

jax.config.update("jax_enable_x64", True)

BOS_ID = 101
EOS_ID = 102
MAX_LENGTH = 2048
BATCH = 16
SEQ_LEN = 4096
N_SEG = 2


def setup_inputs(seed: int = 0) -> dict:
    key = jax.random.key(seed)
    inputs = jax.random.randint(key, (BATCH, N_SEG, SEQ_LEN), 0, 30000, dtype=jnp.int64)
    return {"inputs": inputs}


def reference(inputs):
    x = inputs  # [B, 2, L] int token ids, 0 = padding
    B, S, L = x.shape
    mask = x != 0
    lengths = jnp.sum(mask, axis=-1)  # [B, 2] per-segment nonzero counts
    # tf.ragged.boolean_mask(x, x != 0): compact nonzero tokens to the front (stable)
    order = jnp.argsort(jnp.where(mask, 0, 1), axis=-1)  # jax sorts are stable
    compacted = jnp.take_along_axis(x, order, axis=-1)  # [B, 2, L]
    # RoundRobinTrimmer(MAX_LENGTH): element j of segment i has round-robin rank
    # r = j*S + i; it is kept iff it is valid (j < len_i) and fewer than MAX_LENGTH
    # valid elements of the row precede it in rank order. This reproduces round
    # robin WITH redistribution of leftover budget when a segment runs out.
    j = jnp.arange(L).reshape(1, 1, L)
    seg = jnp.arange(S).reshape(1, S, 1)
    r = j * S + seg  # [1, 2, L]
    l0 = lengths[:, 0].reshape(B, 1, 1)
    l1 = lengths[:, 1].reshape(B, 1, 1)
    c0 = jnp.clip((r - 0 + 1) // 2, 0, l0)  # # valid seg-0 elements with rank < r
    c1 = jnp.clip((r - 1 + 1) // 2, 0, l1)  # # valid seg-1 elements with rank < r
    valid = j < lengths.reshape(B, S, 1)
    kept = valid & ((c0 + c1) < MAX_LENGTH)
    t = jnp.sum(kept, axis=-1)  # trimmed lengths [B, 2] (kept elems are a prefix)
    t0 = t[:, 0:1]
    t1 = t[:, 1:2]
    # combine_segments: [BOS] seg0 [EOS] seg1 [EOS]; to_tensor() pads with 0.
    Lout = MAX_LENGTH + 3  # static upper bound on combined length
    idx = jnp.broadcast_to(jnp.arange(Lout).reshape(1, Lout), (B, Lout))
    seg0 = compacted[:, 0, :]
    seg1 = compacted[:, 1, :]
    v0 = jnp.take_along_axis(seg0, jnp.clip(idx - 1, 0, L - 1), axis=1)
    v1 = jnp.take_along_axis(seg1, jnp.clip(idx - t0 - 2, 0, L - 1), axis=1)
    token_ids = jnp.where(idx == 0, BOS_ID,
                jnp.where(idx <= t0, v0,
                jnp.where(idx == t0 + 1, EOS_ID,
                jnp.where(idx <= t0 + t1 + 1, v1,
                jnp.where(idx == t0 + t1 + 2, EOS_ID, 0)))))
    type_ids = jnp.where((idx > t0 + 1) & (idx <= t0 + t1 + 2), 1, 0)
    return token_ids.astype(x.dtype), type_ids.astype(x.dtype)

if __name__ == "__main__":
    import jax
    _d = setup_inputs()
    print(jax.jit(kernel)(*tuple(_d.values())))

</pallas_src>

<mosaic_0001>
#map = affine_map<(d0, d1) -> (0, 0)>
module attributes {stable_mosaic.version = 14 : i64} {
  func.func @_preproc_body(%arg0: i32, %arg1: i32, %arg2: memref<16x8192xi32, #tpu.memory_space<hbm>>, %arg3: memref<16x4128xi32, #tpu.memory_space<hbm>>, %arg4: memref<8192xi32, #tpu.memory_space<vmem>>, %arg5: memref<4128xi32, #tpu.memory_space<vmem>>) attributes {dimension_semantics = [#tpu.dimension_semantics<core_parallel>, #tpu.dimension_semantics<subcore_parallel>], iteration_bounds = array<i64: 2, 16>, scalar_prefetch = 0 : i64, scratch_operands = 2 : i64, tpu.core_type = #tpu.core_type<sc_vector_subcore>, window_params = [{transform_indices = #map}, {transform_indices = #map}]} {
    %mul3A = arith.constant 2 : i32
    %mul3A_0 = arith.muli %arg1, %mul3A : i32
    %add3A = arith.addi %mul3A_0, %arg0 : i32
    %lt3A = arith.constant 16 : i32
    %lt3A_1 = arith.cmpi slt, %add3A, %lt3A : i32
    %convert_element_type3A = arith.extui %lt3A_1 : i1 to i32
    %cond3A = arith.constant 0 : i32
    %cond3A_2 = arith.cmpi ne, %convert_element_type3A, %cond3A : i32
    scf.if %cond3A_2 {
      "tpu.region"() ({
        %run_scoped3A = tpu.sem_alloc : memref<!tpu.dma_semaphore, #tpu.memory_space<semaphore_mem>>
        %dma_start3A = arith.constant 0 : i32
        %dma_start3A_105 = tpu.memref_slice %arg2[%add3A, %dma_start3A] : memref<16x8192xi32, #tpu.memory_space<hbm>> -> memref<1x8192xi32, #tpu.memory_space<hbm>>
        %dma_start3A_106 = tpu.memref_squeeze %dma_start3A_105 : memref<1x8192xi32, #tpu.memory_space<hbm>> -> memref<8192xi32, #tpu.memory_space<hbm>>
        %dma_start3A_107 = arith.constant 0 : i32
        %dma_start3A_108 = tpu.memref_slice %arg2[%add3A, %dma_start3A_107] : memref<16x8192xi32, #tpu.memory_space<hbm>> -> memref<1x8192xi32, #tpu.memory_space<hbm>>
        %dma_start3A_109 = tpu.memref_squeeze %dma_start3A_108 : memref<1x8192xi32, #tpu.memory_space<hbm>> -> memref<8192xi32, #tpu.memory_space<hbm>>
        tpu.enqueue_dma source(%dma_start3A_109 : memref<8192xi32, #tpu.memory_space<hbm>>) target(%arg4 : memref<8192xi32, #tpu.memory_space<vmem>>) target_semaphore(%run_scoped3A : memref<!tpu.dma_semaphore, #tpu.memory_space<semaphore_mem>>)
        %dma_wait3A = arith.constant 0 : i32
        %dma_wait3A_110 = tpu.memref_slice %arg2[%add3A, %dma_wait3A] : memref<16x8192xi32, #tpu.memory_space<hbm>> -> memref<1x8192xi32, #tpu.memory_space<hbm>>
        %dma_wait3A_111 = tpu.memref_squeeze %dma_wait3A_110 : memref<1x8192xi32, #tpu.memory_space<hbm>> -> memref<8192xi32, #tpu.memory_space<hbm>>
        %dma_wait3A_112 = arith.constant 0 : i32
        %dma_wait3A_113 = tpu.memref_slice %arg2[%add3A, %dma_wait3A_112] : memref<16x8192xi32, #tpu.memory_space<hbm>> -> memref<1x8192xi32, #tpu.memory_space<hbm>>
        %dma_wait3A_114 = tpu.memref_squeeze %dma_wait3A_113 : memref<1x8192xi32, #tpu.memory_space<hbm>> -> memref<8192xi32, #tpu.memory_space<hbm>>
        tpu.wait_dma2 semaphore(%run_scoped3A : memref<!tpu.dma_semaphore, #tpu.memory_space<semaphore_mem>>) src(%dma_wait3A_114 : memref<8192xi32, #tpu.memory_space<hbm>>) dst(%arg4 : memref<8192xi32, #tpu.memory_space<vmem>>)
        tpu.yield
      }) : () -> ()
      %iota3A = tpu.iota {dimensions = array<i32: 0>} : vector<16xi32>
      %broadcast_in_dim3A = arith.constant 0 : i32
      %broadcast_in_dim3A_3 = vector.broadcast %broadcast_in_dim3A : i32 to vector<16xi32>
      %while3A = arith.constant 0 : i32
      %while3A_4 = arith.constant 0 : i32
      %while3A_5 = arith.constant 0 : i32
      %while3A_6:2 = scf.while (%while3A_105 = %while3A_4, %while3A_106 = %while3A_5) : (i32, i32) -> (i32, i32) {
        %lt3A_107 = arith.constant 256 : i32
        %lt3A_108 = arith.cmpi slt, %while3A_105, %lt3A_107 : i32
        %lt3A_109 = arith.constant 2048 : i32
        %lt3A_110 = arith.cmpi slt, %while3A_106, %lt3A_109 : i32
        %and3A_111 = arith.andi %lt3A_108, %lt3A_110 : i1
        scf.condition(%and3A_111) %while3A_105, %while3A_106 : i32, i32
      } do {
      ^bb0(%while3A_105: i32, %while3A_106: i32):
        %add3A_107 = arith.constant 0 : i32
        %add3A_108 = arith.addi %while3A_105, %add3A_107 : i32
        %mul3A_109 = arith.constant 16 : i32
        %mul3A_110 = arith.muli %add3A_108, %mul3A_109 : i32
        %add3A_111 = arith.addi %while3A, %mul3A_110 : i32
        %get3A = arith.index_cast %add3A_111 : i32 to index
        %get3A_112 = tpu.vector_load %arg4[%get3A] {strides = array<i32>} : memref<8192xi32, #tpu.memory_space<vmem>>, vector<16xi32>,
        %ne3A_113 = arith.constant 0 : i32
        %ne3A_114 = vector.broadcast %ne3A_113 : i32 to vector<16xi32>
        %ne3A_115 = arith.cmpi ne, %get3A_112, %ne3A_114 : vector<16xi32>
        %all_reduce_population_count3A = tpu.all_reduce %ne3A_115 {dim = 0 : i64, kind = #tpu.reduction_kind<sum>} : vector<16xi1> -> vector<16xi32>
        %add3A_116 = arith.addi %broadcast_in_dim3A_3, %all_reduce_population_count3A : vector<16xi32>
        %add3A_117 = arith.constant 1 : i32
        %add3A_118 = arith.addi %while3A_105, %add3A_117 : i32
        %mul3A_119 = arith.constant 16 : i32
        %mul3A_120 = arith.muli %add3A_118, %mul3A_119 : i32
        %add3A_121 = arith.addi %while3A, %mul3A_120 : i32
        %get3A_122 = arith.index_cast %add3A_121 : i32 to index
        %get3A_123 = tpu.vector_load %arg4[%get3A_122] {strides = array<i32>} : memref<8192xi32, #tpu.memory_space<vmem>>, vector<16xi32>,
        %ne3A_124 = arith.constant 0 : i32
        %ne3A_125 = vector.broadcast %ne3A_124 : i32 to vector<16xi32>
        %ne3A_126 = arith.cmpi ne, %get3A_123, %ne3A_125 : vector<16xi32>
        %all_reduce_population_count3A_127 = tpu.all_reduce %ne3A_126 {dim = 0 : i64, kind = #tpu.reduction_kind<sum>} : vector<16xi1> -> vector<16xi32>
        %add3A_128 = arith.addi %add3A_116, %all_reduce_population_count3A_127 : vector<16xi32>
        %add3A_129 = arith.constant 2 : i32
        %add3A_130 = arith.addi %while3A_105, %add3A_129 : i32
        %mul3A_131 = arith.constant 16 : i32
        %mul3A_132 = arith.muli %add3A_130, %mul3A_131 : i32
        %add3A_133 = arith.addi %while3A, %mul3A_132 : i32
        %get3A_134 = arith.index_cast %add3A_133 : i32 to index
        %get3A_135 = tpu.vector_load %arg4[%get3A_134] {strides = array<i32>} : memref<8192xi32, #tpu.memory_space<vmem>>, vector<16xi32>,
        %ne3A_136 = arith.constant 0 : i32
        %ne3A_137 = vector.broadcast %ne3A_136 : i32 to vector<16xi32>
        %ne3A_138 = arith.cmpi ne, %get3A_135, %ne3A_137 : vector<16xi32>
        %all_reduce_population_count3A_139 = tpu.all_reduce %ne3A_138 {dim = 0 : i64, kind = #tpu.reduction_kind<sum>} : vector<16xi1> -> vector<16xi32>
        %add3A_140 = arith.addi %add3A_128, %all_reduce_population_count3A_139 : vector<16xi32>
        %add3A_141 = arith.constant 3 : i32
        %add3A_142 = arith.addi %while3A_105, %add3A_141 : i32
        %mul3A_143 = arith.constant 16 : i32
        %mul3A_144 = arith.muli %add3A_142, %mul3A_143 : i32
        %add3A_145 = arith.addi %while3A, %mul3A_144 : i32
        %get3A_146 = arith.index_cast %add3A_145 : i32 to index
        %get3A_147 = tpu.vector_load %arg4[%get3A_146] {strides = array<i32>} : memref<8192xi32, #tpu.memory_space<vmem>>, vector<16xi32>,
        %ne3A_148 = arith.constant 0 : i32
        %ne3A_149 = vector.broadcast %ne3A_148 : i32 to vector<16xi32>
        %ne3A_150 = arith.cmpi ne, %get3A_147, %ne3A_149 : vector<16xi32>
        %all_reduce_population_count3A_151 = tpu.all_reduce %ne3A_150 {dim = 0 : i64, kind = #tpu.reduction_kind<sum>} : vector<16xi1> -> vector<16xi32>
        %add3A_152 = arith.addi %add3A_140, %all_reduce_population_count3A_151 : vector<16xi32>
        %add3A_153 = arith.constant 4 : i32
        %add3A_154 = arith.addi %while3A_105, %add3A_153 : i32
        %mul3A_155 = arith.constant 16 : i32
        %mul3A_156 = arith.muli %add3A_154, %mul3A_155 : i32
        %add3A_157 = arith.addi %while3A, %mul3A_156 : i32
        %get3A_158 = arith.index_cast %add3A_157 : i32 to index
        %get3A_159 = tpu.vector_load %arg4[%get3A_158] {strides = array<i32>} : memref<8192xi32, #tpu.memory_space<vmem>>, vector<16xi32>,
        %ne3A_160 = arith.constant 0 : i32
        %ne3A_161 = vector.broadcast %ne3A_160 : i32 to vector<16xi32>
        %ne3A_162 = arith.cmpi ne, %get3A_159, %ne3A_161 : vector<16xi32>
        %all_reduce_population_count3A_163 = tpu.all_reduce %ne3A_162 {dim = 0 : i64, kind = #tpu.reduction_kind<sum>} : vector<16xi1> -> vector<16xi32>
        %add3A_164 = arith.addi %add3A_152, %all_reduce_population_count3A_163 : vector<16xi32>
        %add3A_165 = arith.constant 5 : i32
        %add3A_166 = arith.addi %while3A_105, %add3A_165 : i32
        %mul3A_167 = arith.constant 16 : i32
        %mul3A_168 = arith.muli %add3A_166, %mul3A_167 : i32
        %add3A_169 = arith.addi %while3A, %mul3A_168 : i32
        %get3A_170 = arith.index_cast %add3A_169 : i32 to index
        %get3A_171 = tpu.vector_load %arg4[%get3A_170] {strides = array<i32>} : memref<8192xi32, #tpu.memory_space<vmem>>, vector<16xi32>,
        %ne3A_172 = arith.constant 0 : i32
        %ne3A_173 = vector.broadcast %ne3A_172 : i32 to vector<16xi32>
        %ne3A_174 = arith.cmpi ne, %get3A_171, %ne3A_173 : vector<16xi32>
        %all_reduce_population_count3A_175 = tpu.all_reduce %ne3A_174 {dim = 0 : i64, kind = #tpu.reduction_kind<sum>} : vector<16xi1> -> vector<16xi32>
        %add3A_176 = arith.addi %add3A_164, %all_reduce_population_count3A_175 : vector<16xi32>
        %add3A_177 = arith.constant 6 : i32
        %add3A_178 = arith.addi %while3A_105, %add3A_177 : i32
        %mul3A_179 = arith.constant 16 : i32
        %mul3A_180 = arith.muli %add3A_178, %mul3A_179 : i32
        %add3A_181 = arith.addi %while3A, %mul3A_180 : i32
        %get3A_182 = arith.index_cast %add3A_181 : i32 to index
        %get3A_183 = tpu.vector_load %arg4[%get3A_182] {strides = array<i32>} : memref<8192xi32, #tpu.memory_space<vmem>>, vector<16xi32>,
        %ne3A_184 = arith.constant 0 : i32
        %ne3A_185 = vector.broadcast %ne3A_184 : i32 to vector<16xi32>
        %ne3A_186 = arith.cmpi ne, %get3A_183, %ne3A_185 : vector<16xi32>
        %all_reduce_population_count3A_187 = tpu.all_reduce %ne3A_186 {dim = 0 : i64, kind = #tpu.reduction_kind<sum>} : vector<16xi1> -> vector<16xi32>
        %add3A_188 = arith.addi %add3A_176, %all_reduce_population_count3A_187 : vector<16xi32>
        %add3A_189 = arith.constant 7 : i32
        %add3A_190 = arith.addi %while3A_105, %add3A_189 : i32
        %mul3A_191 = arith.constant 16 : i32
        %mul3A_192 = arith.muli %add3A_190, %mul3A_191 : i32
        %add3A_193 = arith.addi %while3A, %mul3A_192 : i32
        %get3A_194 = arith.index_cast %add3A_193 : i32 to index
        %get3A_195 = tpu.vector_load %arg4[%get3A_194] {strides = array<i32>} : memref<8192xi32, #tpu.memory_space<vmem>>, vector<16xi32>,
        %ne3A_196 = arith.constant 0 : i32
        %ne3A_197 = vector.broadcast %ne3A_196 : i32 to vector<16xi32>
        %ne3A_198 = arith.cmpi ne, %get3A_195, %ne3A_197 : vector<16xi32>
        %all_reduce_population_count3A_199 = tpu.all_reduce %ne3A_198 {dim = 0 : i64, kind = #tpu.reduction_kind<sum>} : vector<16xi1> -> vector<16xi32>
        %add3A_200 = arith.addi %add3A_188, %all_reduce_population_count3A_199 : vector<16xi32>
        %add3A_201 = arith.constant 8 : i32
        %add3A_202 = arith.addi %while3A_105, %add3A_201 : i32
        %reduce_max3A = arith.constant true
        %reduce_max3A_203 = vector.broadcast %reduce_max3A : i1 to vector<16xi1>
        %reduce_max3A_204 = arith.constant -2147483648 : i32
        %reduce_max3A_205 = vector.broadcast %reduce_max3A_204 : i32 to vector<16xi32>
        %reduce_max3A_206 = arith.xori %add3A_200, %reduce_max3A_205 : vector<16xi32>
        %reduce_max3A_207 = tpu.scan <max>, %reduce_max3A_206 masked %reduce_max3A_203 : vector<16xi32>, vector<16xi1> -> vector<16xi32>
        %reduce_max3A_208 = arith.xori %reduce_max3A_207, %reduce_max3A_205 : vector<16xi32>
        %reduce_max3A_209 = vector.extract %reduce_max3A_208[15] : i32 from vector<16xi32>
        %add3A_210 = arith.addi %while3A_106, %reduce_max3A_209 : i32
        scf.yield %add3A_202, %add3A_210 : i32, i32
      }
      %while3A_7 = arith.constant 4096 : i32
      %while3A_8 = arith.constant 0 : i32
      %while3A_9 = arith.constant 0 : i32
      %while3A_10:2 = scf.while (%while3A_105 = %while3A_8, %while3A_106 = %while3A_9) : (i32, i32) -> (i32, i32) {
        %lt3A_107 = arith.constant 256 : i32
        %lt3A_108 = arith.cmpi slt, %while3A_105, %lt3A_107 : i32
        %lt3A_109 = arith.constant 2048 : i32
        %lt3A_110 = arith.cmpi slt, %while3A_106, %lt3A_109 : i32
        %and3A_111 = arith.andi %lt3A_108, %lt3A_110 : i1
        scf.condition(%and3A_111) %while3A_105, %while3A_106 : i32, i32
      } do {
      ^bb0(%while3A_105: i32, %while3A_106: i32):
        %add3A_107 = arith.constant 0 : i32
        %add3A_108 = arith.addi %while3A_105, %add3A_107 : i32
        %mul3A_109 = arith.constant 16 : i32
        %mul3A_110 = arith.muli %add3A_108, %mul3A_109 : i32
        %add3A_111 = arith.addi %while3A_7, %mul3A_110 : i32
        %get3A = arith.index_cast %add3A_111 : i32 to index
        %get3A_112 = tpu.vector_load %arg4[%get3A] {strides = array<i32>} : memref<8192xi32, #tpu.memory_space<vmem>>, vector<16xi32>,
        %ne3A_113 = arith.constant 0 : i32
        %ne3A_114 = vector.broadcast %ne3A_113 : i32 to vector<16xi32>
        %ne3A_115 = arith.cmpi ne, %get3A_112, %ne3A_114 : vector<16xi32>
        %all_reduce_population_count3A = tpu.all_reduce %ne3A_115 {dim = 0 : i64, kind = #tpu.reduction_kind<sum>} : vector<16xi1> -> vector<16xi32>
        %add3A_116 = arith.addi %broadcast_in_dim3A_3, %all_reduce_population_count3A : vector<16xi32>
        %add3A_117 = arith.constant 1 : i32
        %add3A_118 = arith.addi %while3A_105, %add3A_117 : i32
        %mul3A_119 = arith.constant 16 : i32
        %mul3A_120 = arith.muli %add3A_118, %mul3A_119 : i32
        %add3A_121 = arith.addi %while3A_7, %mul3A_120 : i32
        %get3A_122 = arith.index_cast %add3A_121 : i32 to index
        %get3A_123 = tpu.vector_load %arg4[%get3A_122] {strides = array<i32>} : memref<8192xi32, #tpu.memory_space<vmem>>, vector<16xi32>,
        %ne3A_124 = arith.constant 0 : i32
        %ne3A_125 = vector.broadcast %ne3A_124 : i32 to vector<16xi32>
        %ne3A_126 = arith.cmpi ne, %get3A_123, %ne3A_125 : vector<16xi32>
        %all_reduce_population_count3A_127 = tpu.all_reduce %ne3A_126 {dim = 0 : i64, kind = #tpu.reduction_kind<sum>} : vector<16xi1> -> vector<16xi32>
        %add3A_128 = arith.addi %add3A_116, %all_reduce_population_count3A_127 : vector<16xi32>
        %add3A_129 = arith.constant 2 : i32
        %add3A_130 = arith.addi %while3A_105, %add3A_129 : i32
        %mul3A_131 = arith.constant 16 : i32
        %mul3A_132 = arith.muli %add3A_130, %mul3A_131 : i32
        %add3A_133 = arith.addi %while3A_7, %mul3A_132 : i32
        %get3A_134 = arith.index_cast %add3A_133 : i32 to index
        %get3A_135 = tpu.vector_load %arg4[%get3A_134] {strides = array<i32>} : memref<8192xi32, #tpu.memory_space<vmem>>, vector<16xi32>,
        %ne3A_136 = arith.constant 0 : i32
        %ne3A_137 = vector.broadcast %ne3A_136 : i32 to vector<16xi32>
        %ne3A_138 = arith.cmpi ne, %get3A_135, %ne3A_137 : vector<16xi32>
        %all_reduce_population_count3A_139 = tpu.all_reduce %ne3A_138 {dim = 0 : i64, kind = #tpu.reduction_kind<sum>} : vector<16xi1> -> vector<16xi32>
        %add3A_140 = arith.addi %add3A_128, %all_reduce_population_count3A_139 : vector<16xi32>
        %add3A_141 = arith.constant 3 : i32
        %add3A_142 = arith.addi %while3A_105, %add3A_141 : i32
        %mul3A_143 = arith.constant 16 : i32
        %mul3A_144 = arith.muli %add3A_142, %mul3A_143 : i32
        %add3A_145 = arith.addi %while3A_7, %mul3A_144 : i32
        %get3A_146 = arith.index_cast %add3A_145 : i32 to index
        %get3A_147 = tpu.vector_load %arg4[%get3A_146] {strides = array<i32>} : memref<8192xi32, #tpu.memory_space<vmem>>, vector<16xi32>,
        %ne3A_148 = arith.constant 0 : i32
        %ne3A_149 = vector.broadcast %ne3A_148 : i32 to vector<16xi32>
        %ne3A_150 = arith.cmpi ne, %get3A_147, %ne3A_149 : vector<16xi32>
        %all_reduce_population_count3A_151 = tpu.all_reduce %ne3A_150 {dim = 0 : i64, kind = #tpu.reduction_kind<sum>} : vector<16xi1> -> vector<16xi32>
        %add3A_152 = arith.addi %add3A_140, %all_reduce_population_count3A_151 : vector<16xi32>
        %add3A_153 = arith.constant 4 : i32
        %add3A_154 = arith.addi %while3A_105, %add3A_153 : i32
        %mul3A_155 = arith.constant 16 : i32
        %mul3A_156 = arith.muli %add3A_154, %mul3A_155 : i32
        %add3A_157 = arith.addi %while3A_7, %mul3A_156 : i32
        %get3A_158 = arith.index_cast %add3A_157 : i32 to index
        %get3A_159 = tpu.vector_load %arg4[%get3A_158] {strides = array<i32>} : memref<8192xi32, #tpu.memory_space<vmem>>, vector<16xi32>,
        %ne3A_160 = arith.constant 0 : i32
        %ne3A_161 = vector.broadcast %ne3A_160 : i32 to vector<16xi32>
        %ne3A_162 = arith.cmpi ne, %get3A_159, %ne3A_161 : vector<16xi32>
        %all_reduce_population_count3A_163 = tpu.all_reduce %ne3A_162 {dim = 0 : i64, kind = #tpu.reduction_kind<sum>} : vector<16xi1> -> vector<16xi32>
        %add3A_164 = arith.addi %add3A_152, %all_reduce_population_count3A_163 : vector<16xi32>
        %add3A_165 = arith.constant 5 : i32
        %add3A_166 = arith.addi %while3A_105, %add3A_165 : i32
        %mul3A_167 = arith.constant 16 : i32
        %mul3A_168 = arith.muli %add3A_166, %mul3A_167 : i32
        %add3A_169 = arith.addi %while3A_7, %mul3A_168 : i32
        %get3A_170 = arith.index_cast %add3A_169 : i32 to index
        %get3A_171 = tpu.vector_load %arg4[%get3A_170] {strides = array<i32>} : memref<8192xi32, #tpu.memory_space<vmem>>, vector<16xi32>,
        %ne3A_172 = arith.constant 0 : i32
        %ne3A_173 = vector.broadcast %ne3A_172 : i32 to vector<16xi32>
        %ne3A_174 = arith.cmpi ne, %get3A_171, %ne3A_173 : vector<16xi32>
        %all_reduce_population_count3A_175 = tpu.all_reduce %ne3A_174 {dim = 0 : i64, kind = #tpu.reduction_kind<sum>} : vector<16xi1> -> vector<16xi32>
        %add3A_176 = arith.addi %add3A_164, %all_reduce_population_count3A_175 : vector<16xi32>
        %add3A_177 = arith.constant 6 : i32
        %add3A_178 = arith.addi %while3A_105, %add3A_177 : i32
        %mul3A_179 = arith.constant 16 : i32
        %mul3A_180 = arith.muli %add3A_178, %mul3A_179 : i32
        %add3A_181 = arith.addi %while3A_7, %mul3A_180 : i32
        %get3A_182 = arith.index_cast %add3A_181 : i32 to index
        %get3A_183 = tpu.vector_load %arg4[%get3A_182] {strides = array<i32>} : memref<8192xi32, #tpu.memory_space<vmem>>, vector<16xi32>,
        %ne3A_184 = arith.constant 0 : i32
        %ne3A_185 = vector.broadcast %ne3A_184 : i32 to vector<16xi32>
        %ne3A_186 = arith.cmpi ne, %get3A_183, %ne3A_185 : vector<16xi32>
        %all_reduce_population_count3A_187 = tpu.all_reduce %ne3A_186 {dim = 0 : i64, kind = #tpu.reduction_kind<sum>} : vector<16xi1> -> vector<16xi32>
        %add3A_188 = arith.addi %add3A_176, %all_reduce_population_count3A_187 : vector<16xi32>
        %add3A_189 = arith.constant 7 : i32
        %add3A_190 = arith.addi %while3A_105, %add3A_189 : i32
        %mul3A_191 = arith.constant 16 : i32
        %mul3A_192 = arith.muli %add3A_190, %mul3A_191 : i32
        %add3A_193 = arith.addi %while3A_7, %mul3A_192 : i32
        %get3A_194 = arith.index_cast %add3A_193 : i32 to index
        %get3A_195 = tpu.vector_load %arg4[%get3A_194] {strides = array<i32>} : memref<8192xi32, #tpu.memory_space<vmem>>, vector<16xi32>,
        %ne3A_196 = arith.constant 0 : i32
        %ne3A_197 = vector.broadcast %ne3A_196 : i32 to vector<16xi32>
        %ne3A_198 = arith.cmpi ne, %get3A_195, %ne3A_197 : vector<16xi32>
        %all_reduce_population_count3A_199 = tpu.all_reduce %ne3A_198 {dim = 0 : i64, kind = #tpu.reduction_kind<sum>} : vector<16xi1> -> vector<16xi32>
        %add3A_200 = arith.addi %add3A_188, %all_reduce_population_count3A_199 : vector<16xi32>
        %add3A_201 = arith.constant 8 : i32
        %add3A_202 = arith.addi %while3A_105, %add3A_201 : i32
        %reduce_max3A = arith.constant true
        %reduce_max3A_203 = vector.broadcast %reduce_max3A : i1 to vector<16xi1>
        %reduce_max3A_204 = arith.constant -2147483648 : i32
        %reduce_max3A_205 = vector.broadcast %reduce_max3A_204 : i32 to vector<16xi32>
        %reduce_max3A_206 = arith.xori %add3A_200, %reduce_max3A_205 : vector<16xi32>
        %reduce_max3A_207 = tpu.scan <max>, %reduce_max3A_206 masked %reduce_max3A_203 : vector<16xi32>, vector<16xi1> -> vector<16xi32>
        %reduce_max3A_208 = arith.xori %reduce_max3A_207, %reduce_max3A_205 : vector<16xi32>
        %reduce_max3A_209 = vector.extract %reduce_max3A_208[15] : i32 from vector<16xi32>
        %add3A_210 = arith.addi %while3A_106, %reduce_max3A_209 : i32
        scf.yield %add3A_202, %add3A_210 : i32, i32
      }
      %mul3A_11 = arith.constant 2 : i32
      %mul3A_12 = arith.muli %mul3A_11, %while3A_10#1 : i32
      %ge3A = arith.constant 2048 : i32
      %ge3A_13 = arith.cmpi sge, %mul3A_12, %ge3A : i32
      %sub3A = arith.constant 2048 : i32
      %sub3A_14 = arith.subi %sub3A, %while3A_10#1 : i32
      %jit3A = arith.constant 1024 : i64
      %convert_element_type3A_15 = arith.trunci %jit3A : i64 to i32
      %select_n3A = arith.select %ge3A_13, %convert_element_type3A_15, %sub3A_14 : i32
      %min3A = arith.minsi %while3A_6#1, %select_n3A : i32
      %mul3A_16 = arith.constant 2 : i32
      %mul3A_17 = arith.muli %mul3A_16, %while3A_6#1 : i32
      %ge3A_18 = arith.constant 2048 : i32
      %ge3A_19 = arith.cmpi sge, %mul3A_17, %ge3A_18 : i32
      %sub3A_20 = arith.constant 2048 : i32
      %sub3A_21 = arith.subi %sub3A_20, %while3A_6#1 : i32
      %jit3A_22 = arith.constant 1024 : i64
      %convert_element_type3A_23 = arith.trunci %jit3A_22 : i64 to i32
      %select_n3A_24 = arith.select %ge3A_19, %convert_element_type3A_23, %sub3A_21 : i32
      %min3A_25 = arith.minsi %while3A_10#1, %select_n3A_24 : i32
      %while3A_26 = arith.constant 0 : i32
      %while3A_27 = arith.constant 0 : i32
      %while3A_28 = arith.constant 129 : i32
      %while3A_29 = arith.subi %while3A_28, %while3A_27 : i32
      %while3A_30 = arith.addi %while3A_27, %while3A_29 : i32
      %while3A_31 = arith.constant 1 : i32
      %while3A_32 = arith.divsi %while3A_29, %while3A_31 : i32
      %while3A_33 = arith.muli %while3A_32, %while3A_31 : i32
      %while3A_34 = arith.addi %while3A_27, %while3A_33 : i32
      %while3A_35 = arith.constant 1 : i32
      scf.for %while3A_105 = %while3A_27 to %while3A_34 step %while3A_35  : i32 {
        %mul3A_106 = arith.constant 16 : i32
        %mul3A_107 = arith.muli %while3A_105, %mul3A_106 : i32
        %add3A_108 = vector.broadcast %mul3A_107 : i32 to vector<16xi32>
        %add3A_109 = arith.addi %add3A_108, %iota3A : vector<16xi32>
        %add3A_110 = arith.constant 1 : i32
        %add3A_111 = arith.addi %min3A, %add3A_110 : i32
        %gt3A = vector.broadcast %add3A_111 : i32 to vector<16xi32>
        %gt3A_112 = arith.cmpi sgt, %add3A_109, %gt3A : vector<16xi32>
        %add3A_113 = arith.addi %min3A, %min3A_25 : i32
        %add3A_114 = arith.constant 2 : i32
        %add3A_115 = arith.addi %add3A_113, %add3A_114 : i32
        %le3A = vector.broadcast %add3A_115 : i32 to vector<16xi32>
        %le3A_116 = arith.cmpi sle, %add3A_109, %le3A : vector<16xi32>
        %and3A_117 = arith.andi %gt3A_112, %le3A_116 : vector<16xi1>
        %jit3A_118 = arith.constant 1 : i32
        %jit3A_119 = arith.constant 0 : i32
        %broadcast_in_dim3A_120 = vector.broadcast %jit3A_118 : i32 to vector<16xi32>
        %broadcast_in_dim3A_121 = vector.broadcast %jit3A_119 : i32 to vector<16xi32>
        %select_n3A_122 = arith.select %and3A_117, %broadcast_in_dim3A_120, %broadcast_in_dim3A_121 : vector<16xi1>, vector<16xi32>
        %mul3A_123 = arith.constant 16 : i32
        %mul3A_124 = arith.muli %while3A_105, %mul3A_123 : i32
        %add3A_125 = arith.constant 2064 : i32
        %add3A_126 = arith.addi %add3A_125, %mul3A_124 : i32
        %swap3A = arith.index_cast %add3A_126 : i32 to index
        %swap3A_127 = tpu.vector_load %arg5[%swap3A] {strides = array<i32>} : memref<4128xi32, #tpu.memory_space<vmem>>, vector<16xi32>,
        tpu.vector_store %arg5[%swap3A], %select_n3A_122 {strides = array<i32>} : memref<4128xi32, #tpu.memory_space<vmem>>, vector<16xi32>,
      }
      %while3A_36 = arith.constant 1 : i32
      scf.for %while3A_105 = %while3A_34 to %while3A_30 step %while3A_36  : i32 {
        %mul3A_106 = arith.constant 16 : i32
        %mul3A_107 = arith.muli %while3A_105, %mul3A_106 : i32
        %add3A_108 = vector.broadcast %mul3A_107 : i32 to vector<16xi32>
        %add3A_109 = arith.addi %add3A_108, %iota3A : vector<16xi32>
        %add3A_110 = arith.constant 1 : i32
        %add3A_111 = arith.addi %min3A, %add3A_110 : i32
        %gt3A = vector.broadcast %add3A_111 : i32 to vector<16xi32>
        %gt3A_112 = arith.cmpi sgt, %add3A_109, %gt3A : vector<16xi32>
        %add3A_113 = arith.addi %min3A, %min3A_25 : i32
        %add3A_114 = arith.constant 2 : i32
        %add3A_115 = arith.addi %add3A_113, %add3A_114 : i32
        %le3A = vector.broadcast %add3A_115 : i32 to vector<16xi32>
        %le3A_116 = arith.cmpi sle, %add3A_109, %le3A : vector<16xi32>
        %and3A_117 = arith.andi %gt3A_112, %le3A_116 : vector<16xi1>
        %jit3A_118 = arith.constant 1 : i32
        %jit3A_119 = arith.constant 0 : i32
        %broadcast_in_dim3A_120 = vector.broadcast %jit3A_118 : i32 to vector<16xi32>
        %broadcast_in_dim3A_121 = vector.broadcast %jit3A_119 : i32 to vector<16xi32>
        %select_n3A_122 = arith.select %and3A_117, %broadcast_in_dim3A_120, %broadcast_in_dim3A_121 : vector<16xi1>, vector<16xi32>
        %mul3A_123 = arith.constant 16 : i32
        %mul3A_124 = arith.muli %while3A_105, %mul3A_123 : i32
        %add3A_125 = arith.constant 2064 : i32
        %add3A_126 = arith.addi %add3A_125, %mul3A_124 : i32
        %swap3A = arith.index_cast %add3A_126 : i32 to index
        %swap3A_127 = tpu.vector_load %arg5[%swap3A] {strides = array<i32>} : memref<4128xi32, #tpu.memory_space<vmem>>, vector<16xi32>,
        tpu.vector_store %arg5[%swap3A], %select_n3A_122 {strides = array<i32>} : memref<4128xi32, #tpu.memory_space<vmem>>, vector<16xi32>,
      }
      %add3A_37 = arith.addi %min3A, %min3A_25 : i32
      %add3A_38 = arith.constant 3 : i32
      %add3A_39 = arith.addi %add3A_37, %add3A_38 : i32
      %jit3A_40 = arith.constant 16 : i32
      %div3A = arith.divsi %add3A_39, %jit3A_40 : i32
      %sign3A = arith.constant 0 : i32
      %sign3A_41 = arith.cmpi sgt, %add3A_39, %sign3A : i32
      %sign3A_42 = arith.extui %sign3A_41 : i1 to i32
      %sign3A_43 = arith.constant 0 : i32
      %sign3A_44 = arith.cmpi slt, %add3A_39, %sign3A_43 : i32
      %sign3A_45 = arith.extui %sign3A_44 : i1 to i32
      %sign3A_46 = arith.subi %sign3A_42, %sign3A_45 : i32
      %sign3A_47 = arith.constant 0 : i32
      %sign3A_48 = arith.cmpi sgt, %jit3A_40, %sign3A_47 : i32
      %sign3A_49 = arith.extui %sign3A_48 : i1 to i32
      %sign3A_50 = arith.constant 0 : i32
      %sign3A_51 = arith.cmpi slt, %jit3A_40, %sign3A_50 : i32
      %sign3A_52 = arith.extui %sign3A_51 : i1 to i32
      %sign3A_53 = arith.subi %sign3A_49, %sign3A_52 : i32
      %ne3A = arith.cmpi ne, %sign3A_46, %sign3A_53 : i32
      %rem3A = arith.remsi %add3A_39, %jit3A_40 : i32
      %ne3A_54 = arith.constant 0 : i32
      %ne3A_55 = arith.cmpi ne, %rem3A, %ne3A_54 : i32
      %and3A = arith.andi %ne3A, %ne3A_55 : i1
      %sub3A_56 = arith.constant 1 : i32
      %sub3A_57 = arith.subi %div3A, %sub3A_56 : i32
      %select_n3A_58 = arith.select %and3A, %sub3A_57, %div3A : i32
      %while3A_59 = arith.constant 0 : i32
      %while3A_60 = arith.constant 129 : i32
      %while3A_61 = arith.subi %while3A_60, %select_n3A_58 : i32
      %while3A_62 = arith.addi %select_n3A_58, %while3A_61 : i32
      %while3A_63 = arith.constant 1 : i32
      %while3A_64 = arith.divsi %while3A_61, %while3A_63 : i32
      %while3A_65 = arith.muli %while3A_64, %while3A_63 : i32
      %while3A_66 = arith.addi %select_n3A_58, %while3A_65 : i32
      %while3A_67 = arith.constant 1 : i32
      scf.for %while3A_105 = %select_n3A_58 to %while3A_66 step %while3A_67  : i32 {
        %mul3A_106 = arith.constant 16 : i32
        %mul3A_107 = arith.muli %while3A_105, %mul3A_106 : i32
        %swap3A = arith.index_cast %mul3A_107 : i32 to index
        %swap3A_108 = tpu.vector_load %arg5[%swap3A] {strides = array<i32>} : memref<4128xi32, #tpu.memory_space<vmem>>, vector<16xi32>,
        tpu.vector_store %arg5[%swap3A], %broadcast_in_dim3A_3 {strides = array<i32>} : memref<4128xi32, #tpu.memory_space<vmem>>, vector<16xi32>,
      }
      %while3A_68 = arith.constant 1 : i32
      scf.for %while3A_105 = %while3A_66 to %while3A_62 step %while3A_68  : i32 {
        %mul3A_106 = arith.constant 16 : i32
        %mul3A_107 = arith.muli %while3A_105, %mul3A_106 : i32
        %swap3A = arith.index_cast %mul3A_107 : i32 to index
        %swap3A_108 = tpu.vector_load %arg5[%swap3A] {strides = array<i32>} : memref<4128xi32, #tpu.memory_space<vmem>>, vector<16xi32>,
        tpu.vector_store %arg5[%swap3A], %broadcast_in_dim3A_3 {strides = array<i32>} : memref<4128xi32, #tpu.memory_space<vmem>>, vector<16xi32>,
      }
      %while3A_69 = arith.constant 0 : i32
      %while3A_70 = arith.constant 1 : i32
      %while3A_71 = arith.constant 0 : i32
      %while3A_72:2 = scf.while (%while3A_105 = %while3A_71, %while3A_106 = %broadcast_in_dim3A_3) : (i32, vector<16xi32>) -> (i32, vector<16xi32>) {
        %lt3A_107 = arith.constant 256 : i32
        %lt3A_108 = arith.cmpi slt, %while3A_105, %lt3A_107 : i32
        %reduce_max3A = arith.constant true
        %reduce_max3A_109 = vector.broadcast %reduce_max3A : i1 to vector<16xi1>
        %reduce_max3A_110 = arith.constant -2147483648 : i32
        %reduce_max3A_111 = vector.broadcast %reduce_max3A_110 : i32 to vector<16xi32>
        %reduce_max3A_112 = arith.xori %while3A_106, %reduce_max3A_111 : vector<16xi32>
        %reduce_max3A_113 = tpu.scan <max>, %reduce_max3A_112 masked %reduce_max3A_109 : vector<16xi32>, vector<16xi1> -> vector<16xi32>
        %reduce_max3A_114 = arith.xori %reduce_max3A_113, %reduce_max3A_111 : vector<16xi32>
        %reduce_max3A_115 = vector.extract %reduce_max3A_114[15] : i32 from vector<16xi32>
        %lt3A_116 = arith.cmpi slt, %reduce_max3A_115, %min3A : i32
        %and3A_117 = arith.andi %lt3A_108, %lt3A_116 : i1
        scf.condition(%and3A_117) %while3A_105, %while3A_106 : i32, vector<16xi32>
      } do {
      ^bb0(%while3A_105: i32, %while3A_106: vector<16xi32>):
        %add3A_107 = arith.constant 0 : i32
        %add3A_108 = arith.addi %while3A_105, %add3A_107 : i32
        %mul3A_109 = arith.constant 16 : i32
        %mul3A_110 = arith.muli %add3A_108, %mul3A_109 : i32
        %add3A_111 = arith.addi %while3A_69, %mul3A_110 : i32
        %get3A = arith.index_cast %add3A_111 : i32 to index
        %get3A_112 = tpu.vector_load %arg4[%get3A] {strides = array<i32>} : memref<8192xi32, #tpu.memory_space<vmem>>, vector<16xi32>,
        %ne3A_113 = arith.constant 0 : i32
        %ne3A_114 = vector.broadcast %ne3A_113 : i32 to vector<16xi32>
        %ne3A_115 = arith.cmpi ne, %get3A_112, %ne3A_114 : vector<16xi32>
        %convert_element_type3A_116 = arith.extui %ne3A_115 : vector<16xi1> to vector<16xi32>
        %broadcast_in_dim3A_117 = arith.constant true
        %broadcast_in_dim3A_118 = vector.broadcast %broadcast_in_dim3A_117 : i1 to vector<16xi1>
        %masked_cumsum3A = tpu.scan <sum>, %convert_element_type3A_116 masked %broadcast_in_dim3A_118 : vector<16xi32>, vector<16xi1> -> vector<16xi32>
        %add3A_119 = arith.addi %masked_cumsum3A, %while3A_106 : vector<16xi32>
        %add3A_120 = vector.broadcast %while3A_70 : i32 to vector<16xi32>
        %add3A_121 = arith.addi %add3A_120, %add3A_119 : vector<16xi32>
        %sub3A_122 = arith.constant 1 : i32
        %sub3A_123 = vector.broadcast %sub3A_122 : i32 to vector<16xi32>
        %sub3A_124 = arith.subi %add3A_121, %sub3A_123 : vector<16xi32>
        %le3A = vector.broadcast %min3A : i32 to vector<16xi32>
        %le3A_125 = arith.cmpi sle, %add3A_119, %le3A : vector<16xi32>
        %and3A_126 = arith.andi %ne3A_115, %le3A_125 : vector<16xi1>
        tpu.vector_store_idx %arg5[%sub3A_124], %get3A_112 masked %and3A_126 : memref<4128xi32, #tpu.memory_space<vmem>>[vector<16xi32>], vector<16xi32>, vector<16xi1>
        %all_reduce_population_count3A = tpu.all_reduce %ne3A_115 {dim = 0 : i64, kind = #tpu.reduction_kind<sum>} : vector<16xi1> -> vector<16xi32>
        %add3A_127 = arith.addi %while3A_106, %all_reduce_population_count3A : vector<16xi32>
        %add3A_128 = arith.constant 1 : i32
        %add3A_129 = arith.addi %while3A_105, %add3A_128 : i32
        %mul3A_130 = arith.constant 16 : i32
        %mul3A_131 = arith.muli %add3A_129, %mul3A_130 : i32
        %add3A_132 = arith.addi %while3A_69, %mul3A_131 : i32
        %get3A_133 = arith.index_cast %add3A_132 : i32 to index
        %get3A_134 = tpu.vector_load %arg4[%get3A_133] {strides = array<i32>} : memref<8192xi32, #tpu.memory_space<vmem>>, vector<16xi32>,
        %ne3A_135 = arith.constant 0 : i32
        %ne3A_136 = vector.broadcast %ne3A_135 : i32 to vector<16xi32>
        %ne3A_137 = arith.cmpi ne, %get3A_134, %ne3A_136 : vector<16xi32>
        %convert_element_type3A_138 = arith.extui %ne3A_137 : vector<16xi1> to vector<16xi32>
        %broadcast_in_dim3A_139 = arith.constant true
        %broadcast_in_dim3A_140 = vector.broadcast %broadcast_in_dim3A_139 : i1 to vector<16xi1>
        %masked_cumsum3A_141 = tpu.scan <sum>, %convert_element_type3A_138 masked %broadcast_in_dim3A_140 : vector<16xi32>, vector<16xi1> -> vector<16xi32>
        %add3A_142 = arith.addi %masked_cumsum3A_141, %add3A_127 : vector<16xi32>
        %add3A_143 = vector.broadcast %while3A_70 : i32 to vector<16xi32>
        %add3A_144 = arith.addi %add3A_143, %add3A_142 : vector<16xi32>
        %sub3A_145 = arith.constant 1 : i32
        %sub3A_146 = vector.broadcast %sub3A_145 : i32 to vector<16xi32>
        %sub3A_147 = arith.subi %add3A_144, %sub3A_146 : vector<16xi32>
        %le3A_148 = vector.broadcast %min3A : i32 to vector<16xi32>
        %le3A_149 = arith.cmpi sle, %add3A_142, %le3A_148 : vector<16xi32>
        %and3A_150 = arith.andi %ne3A_137, %le3A_149 : vector<16xi1>
        tpu.vector_store_idx %arg5[%sub3A_147], %get3A_134 masked %and3A_150 : memref<4128xi32, #tpu.memory_space<vmem>>[vector<16xi32>], vector<16xi32>, vector<16xi1>
        %all_reduce_population_count3A_151 = tpu.all_reduce %ne3A_137 {dim = 0 : i64, kind = #tpu.reduction_kind<sum>} : vector<16xi1> -> vector<16xi32>
        %add3A_152 = arith.addi %add3A_127, %all_reduce_population_count3A_151 : vector<16xi32>
        %add3A_153 = arith.constant 2 : i32
        %add3A_154 = arith.addi %while3A_105, %add3A_153 : i32
        %mul3A_155 = arith.constant 16 : i32
        %mul3A_156 = arith.muli %add3A_154, %mul3A_155 : i32
        %add3A_157 = arith.addi %while3A_69, %mul3A_156 : i32
        %get3A_158 = arith.index_cast %add3A_157 : i32 to index
        %get3A_159 = tpu.vector_load %arg4[%get3A_158] {strides = array<i32>} : memref<8192xi32, #tpu.memory_space<vmem>>, vector<16xi32>,
        %ne3A_160 = arith.constant 0 : i32
        %ne3A_161 = vector.broadcast %ne3A_160 : i32 to vector<16xi32>
        %ne3A_162 = arith.cmpi ne, %get3A_159, %ne3A_161 : vector<16xi32>
        %convert_element_type3A_163 = arith.extui %ne3A_162 : vector<16xi1> to vector<16xi32>
        %broadcast_in_dim3A_164 = arith.constant true
        %broadcast_in_dim3A_165 = vector.broadcast %broadcast_in_dim3A_164 : i1 to vector<16xi1>
        %masked_cumsum3A_166 = tpu.scan <sum>, %convert_element_type3A_163 masked %broadcast_in_dim3A_165 : vector<16xi32>, vector<16xi1> -> vector<16xi32>
        %add3A_167 = arith.addi %masked_cumsum3A_166, %add3A_152 : vector<16xi32>
        %add3A_168 = vector.broadcast %while3A_70 : i32 to vector<16xi32>
        %add3A_169 = arith.addi %add3A_168, %add3A_167 : vector<16xi32>
        %sub3A_170 = arith.constant 1 : i32
        %sub3A_171 = vector.broadcast %sub3A_170 : i32 to vector<16xi32>
        %sub3A_172 = arith.subi %add3A_169, %sub3A_171 : vector<16xi32>
        %le3A_173 = vector.broadcast %min3A : i32 to vector<16xi32>
        %le3A_174 = arith.cmpi sle, %add3A_167, %le3A_173 : vector<16xi32>
        %and3A_175 = arith.andi %ne3A_162, %le3A_174 : vector<16xi1>
        tpu.vector_store_idx %arg5[%sub3A_172], %get3A_159 masked %and3A_175 : memref<4128xi32, #tpu.memory_space<vmem>>[vector<16xi32>], vector<16xi32>, vector<16xi1>
        %all_reduce_population_count3A_176 = tpu.all_reduce %ne3A_162 {dim = 0 : i64, kind = #tpu.reduction_kind<sum>} : vector<16xi1> -> vector<16xi32>
        %add3A_177 = arith.addi %add3A_152, %all_reduce_population_count3A_176 : vector<16xi32>
        %add3A_178 = arith.constant 3 : i32
        %add3A_179 = arith.addi %while3A_105, %add3A_178 : i32
        %mul3A_180 = arith.constant 16 : i32
        %mul3A_181 = arith.muli %add3A_179, %mul3A_180 : i32
        %add3A_182 = arith.addi %while3A_69, %mul3A_181 : i32
        %get3A_183 = arith.index_cast %add3A_182 : i32 to index
        %get3A_184 = tpu.vector_load %arg4[%get3A_183] {strides = array<i32>} : memref<8192xi32, #tpu.memory_space<vmem>>, vector<16xi32>,
        %ne3A_185 = arith.constant 0 : i32
        %ne3A_186 = vector.broadcast %ne3A_185 : i32 to vector<16xi32>
        %ne3A_187 = arith.cmpi ne, %get3A_184, %ne3A_186 : vector<16xi32>
        %convert_element_type3A_188 = arith.extui %ne3A_187 : vector<16xi1> to vector<16xi32>
        %broadcast_in_dim3A_189 = arith.constant true
        %broadcast_in_dim3A_190 = vector.broadcast %broadcast_in_dim3A_189 : i1 to vector<16xi1>
        %masked_cumsum3A_191 = tpu.scan <sum>, %convert_element_type3A_188 masked %broadcast_in_dim3A_190 : vector<16xi32>, vector<16xi1> -> vector<16xi32>
        %add3A_192 = arith.addi %masked_cumsum3A_191, %add3A_177 : vector<16xi32>
        %add3A_193 = vector.broadcast %while3A_70 : i32 to vector<16xi32>
        %add3A_194 = arith.addi %add3A_193, %add3A_192 : vector<16xi32>
        %sub3A_195 = arith.constant 1 : i32
        %sub3A_196 = vector.broadcast %sub3A_195 : i32 to vector<16xi32>
        %sub3A_197 = arith.subi %add3A_194, %sub3A_196 : vector<16xi32>
        %le3A_198 = vector.broadcast %min3A : i32 to vector<16xi32>
        %le3A_199 = arith.cmpi sle, %add3A_192, %le3A_198 : vector<16xi32>
        %and3A_200 = arith.andi %ne3A_187, %le3A_199 : vector<16xi1>
        tpu.vector_store_idx %arg5[%sub3A_197], %get3A_184 masked %and3A_200 : memref<4128xi32, #tpu.memory_space<vmem>>[vector<16xi32>], vector<16xi32>, vector<16xi1>
        %all_reduce_population_count3A_201 = tpu.all_reduce %ne3A_187 {dim = 0 : i64, kind = #tpu.reduction_kind<sum>} : vector<16xi1> -> vector<16xi32>
        %add3A_202 = arith.addi %add3A_177, %all_reduce_population_count3A_201 : vector<16xi32>
        %add3A_203 = arith.constant 4 : i32
        %add3A_204 = arith.addi %while3A_105, %add3A_203 : i32
        scf.yield %add3A_204, %add3A_202 : i32, vector<16xi32>
      }
      %add3A_73 = arith.constant 2 : i32
      %add3A_74 = arith.addi %min3A, %add3A_73 : i32
      %while3A_75 = arith.constant 4096 : i32
      %while3A_76 = arith.constant 0 : i32
      %while3A_77:2 = scf.while (%while3A_105 = %while3A_76, %while3A_106 = %broadcast_in_dim3A_3) : (i32, vector<16xi32>) -> (i32, vector<16xi32>) {
        %lt3A_107 = arith.constant 256 : i32
        %lt3A_108 = arith.cmpi slt, %while3A_105, %lt3A_107 : i32
        %reduce_max3A = arith.constant true
        %reduce_max3A_109 = vector.broadcast %reduce_max3A : i1 to vector<16xi1>
        %reduce_max3A_110 = arith.constant -2147483648 : i32
        %reduce_max3A_111 = vector.broadcast %reduce_max3A_110 : i32 to vector<16xi32>
        %reduce_max3A_112 = arith.xori %while3A_106, %reduce_max3A_111 : vector<16xi32>
        %reduce_max3A_113 = tpu.scan <max>, %reduce_max3A_112 masked %reduce_max3A_109 : vector<16xi32>, vector<16xi1> -> vector<16xi32>
        %reduce_max3A_114 = arith.xori %reduce_max3A_113, %reduce_max3A_111 : vector<16xi32>
        %reduce_max3A_115 = vector.extract %reduce_max3A_114[15] : i32 from vector<16xi32>
        %lt3A_116 = arith.cmpi slt, %reduce_max3A_115, %min3A_25 : i32
        %and3A_117 = arith.andi %lt3A_108, %lt3A_116 : i1
        scf.condition(%and3A_117) %while3A_105, %while3A_106 : i32, vector<16xi32>
      } do {
      ^bb0(%while3A_105: i32, %while3A_106: vector<16xi32>):
        %add3A_107 = arith.constant 0 : i32
        %add3A_108 = arith.addi %while3A_105, %add3A_107 : i32
        %mul3A_109 = arith.constant 16 : i32
        %mul3A_110 = arith.muli %add3A_108, %mul3A_109 : i32
        %add3A_111 = arith.addi %while3A_75, %mul3A_110 : i32
        %get3A = arith.index_cast %add3A_111 : i32 to index
        %get3A_112 = tpu.vector_load %arg4[%get3A] {strides = array<i32>} : memref<8192xi32, #tpu.memory_space<vmem>>, vector<16xi32>,
        %ne3A_113 = arith.constant 0 : i32
        %ne3A_114 = vector.broadcast %ne3A_113 : i32 to vector<16xi32>
        %ne3A_115 = arith.cmpi ne, %get3A_112, %ne3A_114 : vector<16xi32>
        %convert_element_type3A_116 = arith.extui %ne3A_115 : vector<16xi1> to vector<16xi32>
        %broadcast_in_dim3A_117 = arith.constant true
        %broadcast_in_dim3A_118 = vector.broadcast %broadcast_in_dim3A_117 : i1 to vector<16xi1>
        %masked_cumsum3A = tpu.scan <sum>, %convert_element_type3A_116 masked %broadcast_in_dim3A_118 : vector<16xi32>, vector<16xi1> -> vector<16xi32>
        %add3A_119 = arith.addi %masked_cumsum3A, %while3A_106 : vector<16xi32>
        %add3A_120 = vector.broadcast %add3A_74 : i32 to vector<16xi32>
        %add3A_121 = arith.addi %add3A_120, %add3A_119 : vector<16xi32>
        %sub3A_122 = arith.constant 1 : i32
        %sub3A_123 = vector.broadcast %sub3A_122 : i32 to vector<16xi32>
        %sub3A_124 = arith.subi %add3A_121, %sub3A_123 : vector<16xi32>
        %le3A = vector.broadcast %min3A_25 : i32 to vector<16xi32>
        %le3A_125 = arith.cmpi sle, %add3A_119, %le3A : vector<16xi32>
        %and3A_126 = arith.andi %ne3A_115, %le3A_125 : vector<16xi1>
        tpu.vector_store_idx %arg5[%sub3A_124], %get3A_112 masked %and3A_126 : memref<4128xi32, #tpu.memory_space<vmem>>[vector<16xi32>], vector<16xi32>, vector<16xi1>
        %all_reduce_population_count3A = tpu.all_reduce %ne3A_115 {dim = 0 : i64, kind = #tpu.reduction_kind<sum>} : vector<16xi1> -> vector<16xi32>
        %add3A_127 = arith.addi %while3A_106, %all_reduce_population_count3A : vector<16xi32>
        %add3A_128 = arith.constant 1 : i32
        %add3A_129 = arith.addi %while3A_105, %add3A_128 : i32
        %mul3A_130 = arith.constant 16 : i32
        %mul3A_131 = arith.muli %add3A_129, %mul3A_130 : i32
        %add3A_132 = arith.addi %while3A_75, %mul3A_131 : i32
        %get3A_133 = arith.index_cast %add3A_132 : i32 to index
        %get3A_134 = tpu.vector_load %arg4[%get3A_133] {strides = array<i32>} : memref<8192xi32, #tpu.memory_space<vmem>>, vector<16xi32>,
        %ne3A_135 = arith.constant 0 : i32
        %ne3A_136 = vector.broadcast %ne3A_135 : i32 to vector<16xi32>
        %ne3A_137 = arith.cmpi ne, %get3A_134, %ne3A_136 : vector<16xi32>
        %convert_element_type3A_138 = arith.extui %ne3A_137 : vector<16xi1> to vector<16xi32>
        %broadcast_in_dim3A_139 = arith.constant true
        %broadcast_in_dim3A_140 = vector.broadcast %broadcast_in_dim3A_139 : i1 to vector<16xi1>
        %masked_cumsum3A_141 = tpu.scan <sum>, %convert_element_type3A_138 masked %broadcast_in_dim3A_140 : vector<16xi32>, vector<16xi1> -> vector<16xi32>
        %add3A_142 = arith.addi %masked_cumsum3A_141, %add3A_127 : vector<16xi32>
        %add3A_143 = vector.broadcast %add3A_74 : i32 to vector<16xi32>
        %add3A_144 = arith.addi %add3A_143, %add3A_142 : vector<16xi32>
        %sub3A_145 = arith.constant 1 : i32
        %sub3A_146 = vector.broadcast %sub3A_145 : i32 to vector<16xi32>
        %sub3A_147 = arith.subi %add3A_144, %sub3A_146 : vector<16xi32>
        %le3A_148 = vector.broadcast %min3A_25 : i32 to vector<16xi32>
        %le3A_149 = arith.cmpi sle, %add3A_142, %le3A_148 : vector<16xi32>
        %and3A_150 = arith.andi %ne3A_137, %le3A_149 : vector<16xi1>
        tpu.vector_store_idx %arg5[%sub3A_147], %get3A_134 masked %and3A_150 : memref<4128xi32, #tpu.memory_space<vmem>>[vector<16xi32>], vector<16xi32>, vector<16xi1>
        %all_reduce_population_count3A_151 = tpu.all_reduce %ne3A_137 {dim = 0 : i64, kind = #tpu.reduction_kind<sum>} : vector<16xi1> -> vector<16xi32>
        %add3A_152 = arith.addi %add3A_127, %all_reduce_population_count3A_151 : vector<16xi32>
        %add3A_153 = arith.constant 2 : i32
        %add3A_154 = arith.addi %while3A_105, %add3A_153 : i32
        %mul3A_155 = arith.constant 16 : i32
        %mul3A_156 = arith.muli %add3A_154, %mul3A_155 : i32
        %add3A_157 = arith.addi %while3A_75, %mul3A_156 : i32
        %get3A_158 = arith.index_cast %add3A_157 : i32 to index
        %get3A_159 = tpu.vector_load %arg4[%get3A_158] {strides = array<i32>} : memref<8192xi32, #tpu.memory_space<vmem>>, vector<16xi32>,
        %ne3A_160 = arith.constant 0 : i32
        %ne3A_161 = vector.broadcast %ne3A_160 : i32 to vector<16xi32>
        %ne3A_162 = arith.cmpi ne, %get3A_159, %ne3A_161 : vector<16xi32>
        %convert_element_type3A_163 = arith.extui %ne3A_162 : vector<16xi1> to vector<16xi32>
        %broadcast_in_dim3A_164 = arith.constant true
        %broadcast_in_dim3A_165 = vector.broadcast %broadcast_in_dim3A_164 : i1 to vector<16xi1>
        %masked_cumsum3A_166 = tpu.scan <sum>, %convert_element_type3A_163 masked %broadcast_in_dim3A_165 : vector<16xi32>, vector<16xi1> -> vector<16xi32>
        %add3A_167 = arith.addi %masked_cumsum3A_166, %add3A_152 : vector<16xi32>
        %add3A_168 = vector.broadcast %add3A_74 : i32 to vector<16xi32>
        %add3A_169 = arith.addi %add3A_168, %add3A_167 : vector<16xi32>
        %sub3A_170 = arith.constant 1 : i32
        %sub3A_171 = vector.broadcast %sub3A_170 : i32 to vector<16xi32>
        %sub3A_172 = arith.subi %add3A_169, %sub3A_171 : vector<16xi32>
        %le3A_173 = vector.broadcast %min3A_25 : i32 to vector<16xi32>
        %le3A_174 = arith.cmpi sle, %add3A_167, %le3A_173 : vector<16xi32>
        %and3A_175 = arith.andi %ne3A_162, %le3A_174 : vector<16xi1>
        tpu.vector_store_idx %arg5[%sub3A_172], %get3A_159 masked %and3A_175 : memref<4128xi32, #tpu.memory_space<vmem>>[vector<16xi32>], vector<16xi32>, vector<16xi1>
        %all_reduce_population_count3A_176 = tpu.all_reduce %ne3A_162 {dim = 0 : i64, kind = #tpu.reduction_kind<sum>} : vector<16xi1> -> vector<16xi32>
        %add3A_177 = arith.addi %add3A_152, %all_reduce_population_count3A_176 : vector<16xi32>
        %add3A_178 = arith.constant 3 : i32
        %add3A_179 = arith.addi %while3A_105, %add3A_178 : i32
        %mul3A_180 = arith.constant 16 : i32
        %mul3A_181 = arith.muli %add3A_179, %mul3A_180 : i32
        %add3A_182 = arith.addi %while3A_75, %mul3A_181 : i32
        %get3A_183 = arith.index_cast %add3A_182 : i32 to index
        %get3A_184 = tpu.vector_load %arg4[%get3A_183] {strides = array<i32>} : memref<8192xi32, #tpu.memory_space<vmem>>, vector<16xi32>,
        %ne3A_185 = arith.constant 0 : i32
        %ne3A_186 = vector.broadcast %ne3A_185 : i32 to vector<16xi32>
        %ne3A_187 = arith.cmpi ne, %get3A_184, %ne3A_186 : vector<16xi32>
        %convert_element_type3A_188 = arith.extui %ne3A_187 : vector<16xi1> to vector<16xi32>
        %broadcast_in_dim3A_189 = arith.constant true
        %broadcast_in_dim3A_190 = vector.broadcast %broadcast_in_dim3A_189 : i1 to vector<16xi1>
        %masked_cumsum3A_191 = tpu.scan <sum>, %convert_element_type3A_188 masked %broadcast_in_dim3A_190 : vector<16xi32>, vector<16xi1> -> vector<16xi32>
        %add3A_192 = arith.addi %masked_cumsum3A_191, %add3A_177 : vector<16xi32>
        %add3A_193 = vector.broadcast %add3A_74 : i32 to vector<16xi32>
        %add3A_194 = arith.addi %add3A_193, %add3A_192 : vector<16xi32>
        %sub3A_195 = arith.constant 1 : i32
        %sub3A_196 = vector.broadcast %sub3A_195 : i32 to vector<16xi32>
        %sub3A_197 = arith.subi %add3A_194, %sub3A_196 : vector<16xi32>
        %le3A_198 = vector.broadcast %min3A_25 : i32 to vector<16xi32>
        %le3A_199 = arith.cmpi sle, %add3A_192, %le3A_198 : vector<16xi32>
        %and3A_200 = arith.andi %ne3A_187, %le3A_199 : vector<16xi1>
        tpu.vector_store_idx %arg5[%sub3A_197], %get3A_184 masked %and3A_200 : memref<4128xi32, #tpu.memory_space<vmem>>[vector<16xi32>], vector<16xi32>, vector<16xi1>
        %all_reduce_population_count3A_201 = tpu.all_reduce %ne3A_187 {dim = 0 : i64, kind = #tpu.reduction_kind<sum>} : vector<16xi1> -> vector<16xi32>
        %add3A_202 = arith.addi %add3A_177, %all_reduce_population_count3A_201 : vector<16xi32>
        %add3A_203 = arith.constant 4 : i32
        %add3A_204 = arith.addi %while3A_105, %add3A_203 : i32
        scf.yield %add3A_204, %add3A_202 : i32, vector<16xi32>
      }
      %eq3A = arith.constant 0 : i32
      %eq3A_78 = vector.broadcast %eq3A : i32 to vector<16xi32>
      %eq3A_79 = arith.cmpi eq, %iota3A, %eq3A_78 : vector<16xi32>
      %eq3A_80 = arith.constant 1 : i32
      %eq3A_81 = vector.broadcast %eq3A_80 : i32 to vector<16xi32>
      %eq3A_82 = arith.cmpi eq, %iota3A, %eq3A_81 : vector<16xi32>
      %add3A_83 = arith.constant 1 : i32
      %add3A_84 = arith.addi %min3A, %add3A_83 : i32
      %add3A_85 = arith.addi %min3A, %min3A_25 : i32
      %add3A_86 = arith.constant 2 : i32
      %add3A_87 = arith.addi %add3A_85, %add3A_86 : i32
      %broadcast_in_dim3A_88 = vector.broadcast %add3A_84 : i32 to vector<16xi32>
      %broadcast_in_dim3A_89 = vector.broadcast %add3A_87 : i32 to vector<16xi32>
      %select_n3A_90 = arith.select %eq3A_82, %broadcast_in_dim3A_88, %broadcast_in_dim3A_89 : vector<16xi1>, vector<16xi32>
      %jit3A_91 = arith.constant 0 : i32
      %broadcast_in_dim3A_92 = vector.broadcast %jit3A_91 : i32 to vector<16xi32>
      %select_n3A_93 = arith.select %eq3A_79, %broadcast_in_dim3A_92, %select_n3A_90 : vector<16xi1>, vector<16xi32>
      %eq3A_94 = arith.constant 0 : i32
      %eq3A_95 = vector.broadcast %eq3A_94 : i32 to vector<16xi32>
      %eq3A_96 = arith.cmpi eq, %iota3A, %eq3A_95 : vector<16xi32>
      %jit3A_97 = arith.constant 101 : i32
      %jit3A_98 = arith.constant 102 : i32
      %broadcast_in_dim3A_99 = vector.broadcast %jit3A_97 : i32 to vector<16xi32>
      %broadcast_in_dim3A_100 = vector.broadcast %jit3A_98 : i32 to vector<16xi32>
      %select_n3A_101 = arith.select %eq3A_96, %broadcast_in_dim3A_99, %broadcast_in_dim3A_100 : vector<16xi1>, vector<16xi32>
      %lt3A_102 = arith.constant 3 : i32
      %lt3A_103 = vector.broadcast %lt3A_102 : i32 to vector<16xi32>
      %lt3A_104 = arith.cmpi slt, %iota3A, %lt3A_103 : vector<16xi32>
      tpu.vector_store_idx %arg5[%select_n3A_93], %select_n3A_101 masked %lt3A_104 : memref<4128xi32, #tpu.memory_space<vmem>>[vector<16xi32>], vector<16xi32>, vector<16xi1>
      "tpu.region"() ({
        %run_scoped3A = tpu.sem_alloc : memref<!tpu.dma_semaphore, #tpu.memory_space<semaphore_mem>>
        %dma_start3A = arith.constant 0 : i32
        %dma_start3A_105 = tpu.memref_slice %arg3[%add3A, %dma_start3A] : memref<16x4128xi32, #tpu.memory_space<hbm>> -> memref<1x4128xi32, #tpu.memory_space<hbm>>
        %dma_start3A_106 = tpu.memref_squeeze %dma_start3A_105 : memref<1x4128xi32, #tpu.memory_space<hbm>> -> memref<4128xi32, #tpu.memory_space<hbm>>
        %dma_start3A_107 = arith.constant 0 : i32
        %dma_start3A_108 = tpu.memref_slice %arg3[%add3A, %dma_start3A_107] : memref<16x4128xi32, #tpu.memory_space<hbm>> -> memref<1x4128xi32, #tpu.memory_space<hbm>>
        %dma_start3A_109 = tpu.memref_squeeze %dma_start3A_108 : memref<1x4128xi32, #tpu.memory_space<hbm>> -> memref<4128xi32, #tpu.memory_space<hbm>>
        tpu.enqueue_dma source(%arg5 : memref<4128xi32, #tpu.memory_space<vmem>>) target(%dma_start3A_109 : memref<4128xi32, #tpu.memory_space<hbm>>) target_semaphore(%run_scoped3A : memref<!tpu.dma_semaphore, #tpu.memory_space<semaphore_mem>>)
        %dma_wait3A = arith.constant 0 : i32
        %dma_wait3A_110 = tpu.memref_slice %arg3[%add3A, %dma_wait3A] : memref<16x4128xi32, #tpu.memory_space<hbm>> -> memref<1x4128xi32, #tpu.memory_space<hbm>>
        %dma_wait3A_111 = tpu.memref_squeeze %dma_wait3A_110 : memref<1x4128xi32, #tpu.memory_space<hbm>> -> memref<4128xi32, #tpu.memory_space<hbm>>
        %dma_wait3A_112 = arith.constant 0 : i32
        %dma_wait3A_113 = tpu.memref_slice %arg3[%add3A, %dma_wait3A_112] : memref<16x4128xi32, #tpu.memory_space<hbm>> -> memref<1x4128xi32, #tpu.memory_space<hbm>>
        %dma_wait3A_114 = tpu.memref_squeeze %dma_wait3A_113 : memref<1x4128xi32, #tpu.memory_space<hbm>> -> memref<4128xi32, #tpu.memory_space<hbm>>
        tpu.wait_dma2 semaphore(%run_scoped3A : memref<!tpu.dma_semaphore, #tpu.memory_space<semaphore_mem>>) src(%arg5 : memref<4128xi32, #tpu.memory_space<vmem>>) dst(%dma_wait3A_114 : memref<4128xi32, #tpu.memory_space<hbm>>)
        tpu.yield
      }) : () -> ()
    } else {
    }
    return
  }
}

</mosaic_0001>

<sc_bundles>
// kernel: kernel.3.cloned.1.call-start
scs
__scs_entry_jumppad:
0x0: {  	(pc) =	sbr.rel $0x88, $3  }
0x1: {  	(tag) =	ssettag $0x0;
	lr =	simm.s32 $0x1  }
0x2: {  	[smem:$0x3FA0] =	sst lr;
	_ =	strace $0xD0000000  }
0x3: {  	_ = 	snop  }
0x4: {  	_ = 	snop  }
0x5: {  	_ = 	snop  }
0x6: {  	_ = 	snop  }
0x7: {  	_ = 	snop  }
__scs_overlays_trampoline_lowered:
0x8: {  	[smem:$0x3FAF] =	sst s0  }
0x9: {  	[smem:$0x3FB0] =	sst s1  }
0xa: {  	[smem:$0x3FB1] =	sst s2  }
0xb: {  	[smem:$0x3FB2] =	sst s3  }
0xc: {  	[smem:$0x3FB3] =	sst s4  }
0xd: {  	[smem:$0x3FB4] =	sst s5  }
0xe: {  	[smem:$0x3FB5] =	sst s6  }
0xf: {  	[smem:$0x3FB6] =	sst s7  }
0x10: {  	[smem:$0x3FB7] =	sst s8  }
0x11: {  	[smem:$0x3FB8] =	sst s9;
	s0 =	simm.s32 @!p0 $0x0  }
0x12: {  	s1 =	sld [smem:$0x3F9E];
	s0 =	simm.s32 @p0 $0x1  }
0x13: {  	[smem:$0x3FB9] =	sst s0;
	s0 =	simm.s32 @!p1 $0x0  }
0x14: {  	s2 =	sld [smem:$0x3F9D];
	s0 =	simm.s32 @p1 $0x1  }
0x15: {  	[smem:$0x3FBA] =	sst s0;
	s0 =	simm.s32 @!p2 $0x0  }
0x16: {  	s3 =	sld [smem:$0x3FDB];
	s0 =	simm.s32 @p2 $0x1  }
0x17: {  	s4 =	simm.s32 $0x1BF5;
	[smem:$0x3FBC] =	sst s0  }
0x18: {  	s0 =	sld [smem:$0x3F9F];
	_ =	swait.ge [sflag:s4], $0x0  }
0x19: {  	s7 =	sld [smem:$0x3FA0]  }
0x1a: {  	s8 =	sadd.s32 $0xFFFFE003, lr  }
0x1b: {  	s9 =	sadd.s32 $0xFFFFFEF7, lr;
	s5 =	simm.s32 $0xFFFFFFFF;
	p2 =	slt.u32 s8, $0xFFFFF086  }
0x1c: {  	p1 =	slt.u32 s9, $0xF7A;
	s5 =	simm.s32 @!p2 $0x0  }
0x1d: {  	s5 =	simm.s32 @p1 $0x1;
	p0 =	seq.s32 s7, s2  }
0x1e: {  	s7 =	smul.u32 @!p0 $0xF7A, s2;
	p2 =	seq.s32 @!p0 s5, $0x0  }
0x1f: {  	s9 =	smul.u32 $0xF7A, s1;
	s8 =	simm.s32 @!p0 $0x1BF5;
	p2 =	por !p2, p0  }
0x20: {  	[sflag:s8] =	ssyncset.s32 @!p0 $0xFFFFF086;
	s6 =	sadd.s32 @!p0 s3, s7;
	s7 =	simm.s32 @!p0 $0x108  }
0x21: {  	s3 =	sadd.s32 s3, s9;
	s6 =	sadd.s32 @!p0 $0x88, s6;
	s7 =	simm.s32 @p2 $0x1082  }
0x22: {  	[simem:s7], [sflag:s8] =	dma.local @!p0 [hbm:s6], $0xF7A  }
0x23: {  	s9 =	sor.u32 $0xD0000000, s2;
	s6 =	simm.s32 $0x108;
	_ =	swait.ge @!p0 [sflag:s8], $0x0  }
0x24: {  	s3 =	sadd.s32 $0x88, s3;
	s6 =	simm.s32 @!p1 $0x1082;
	[sflag:s4] =	ssyncset.s32 $0xFFFFF086  }
0x25: {  	[simem:s6], [sflag:s4] =	dma.local [hbm:s3], $0xF7A  }
0x26: {  	[smem:$0x3FA0] =	sst s1;
	(tag) =	ssettag s2;
	_ =	strace s9  }
0x27: {  	s1 =	sld [smem:$0x3FB0]  }
0x28: {  	s2 =	sld [smem:$0x3FB1]  }
0x29: {  	s4 =	sld [smem:$0x3FB3]  }
0x2a: {  	p0 =	seq.s32 s5, $0x0;
	s5 =	sld [smem:$0x3FB4]  }
0x2b: {  	s6 =	sld [smem:$0x3FB5]  }
0x2c: {  	s7 =	sld [smem:$0x3FB6]  }
0x2d: {  	s3 =	simm.s32 $0x108;
	s8 =	sld [smem:$0x3FB7]  }
0x2e: {  	s3 =	simm.s32 @!p0 $0x1082;
	s9 =	sld [smem:$0x3FB8]  }
0x2f: {  	lr =	sadd.s32 s0, s3;
	s0 =	sld [smem:$0x3FAF]  }
0x30: {  	s3 =	sld [smem:$0x3FB2]  }
0x31: {  	[smem:$0x3FBB] =	sst s10  }
0x32: {  	s10 =	sld [smem:$0x3FB9];
	_ =	sdelay $0x3  }
0x33: {  	p0 =	seq.s32 s10, $0x1;
	s10 =	sld [smem:$0x3FBB];
	_ =	sdelay $0x3  }
0x34: {  	[smem:$0x3FBB] =	sst s10  }
0x35: {  	s10 =	sld [smem:$0x3FBA];
	_ =	sdelay $0x3  }
0x36: {  	p1 =	seq.s32 s10, $0x1;
	s10 =	sld [smem:$0x3FBB];
	_ =	sdelay $0x3  }
0x37: {  	[smem:$0x3FBB] =	sst s10  }
0x38: {  	s10 =	sld [smem:$0x3FBC]  }
0x39: {  	_ = 	snop;
	(pc) =	sbr.ind lr, $3  }
0x3a: {  	_ = 	snop  }
0x3b: {  	_ = 	snop  }
0x3c: {  	p2 =	seq.s32 s10, $0x1;
	s10 =	sld [smem:$0x3FBB]  }
0x3d: {  	_ =	shalt  }
0x3e: {  	_ =	shalt  }
0x3f: {  	_ =	shalt  }
0x40: {  	_ =	shalt  }
0x41: {  	_ =	shalt  }
0x42: {  	_ =	shalt  }
0x43: {  	_ =	shalt  }
0x44: {  	_ =	shalt  }
0x45: {  	_ =	shalt  }
0x46: {  	_ =	shalt  }
0x47: {  	_ =	shalt  }
0x48: {  	_ =	shalt  }
0x49: {  	_ =	shalt  }
0x4a: {  	_ =	shalt  }
0x4b: {  	_ =	shalt  }
0x4c: {  	_ =	shalt  }
0x4d: {  	_ =	shalt  }
0x4e: {  	_ =	shalt  }
0x4f: {  	_ =	shalt  }
0x50: {  	_ =	shalt  }
0x51: {  	_ =	shalt  }
0x52: {  	_ =	shalt  }
0x53: {  	_ =	shalt  }
0x54: {  	_ =	shalt  }
0x55: {  	_ =	shalt  }
0x56: {  	_ =	shalt  }
0x57: {  	_ =	shalt  }
0x58: {  	_ =	shalt  }
0x59: {  	_ =	shalt  }
0x5a: {  	_ =	shalt  }
0x5b: {  	_ =	shalt  }
0x5c: {  	_ =	shalt  }
0x5d: {  	_ =	shalt  }
0x5e: {  	_ =	shalt  }
0x5f: {  	_ =	shalt  }
0x60: {  	_ =	shalt  }
0x61: {  	_ =	shalt  }
0x62: {  	_ =	shalt  }
0x63: {  	_ =	shalt  }
0x64: {  	_ =	shalt  }
0x65: {  	_ =	shalt  }
0x66: {  	_ =	shalt  }
0x67: {  	_ =	shalt  }
0x68: {  	_ =	shalt  }
0x69: {  	_ =	shalt  }
0x6a: {  	_ =	shalt  }
0x6b: {  	_ =	shalt  }
0x6c: {  	_ =	shalt  }
0x6d: {  	_ =	shalt  }
0x6e: {  	_ =	shalt  }
0x6f: {  	_ =	shalt  }
0x70: {  	_ =	shalt  }
0x71: {  	_ =	shalt  }
0x72: {  	_ =	shalt  }
0x73: {  	_ =	shalt  }
0x74: {  	_ =	shalt  }
0x75: {  	_ =	shalt  }
0x76: {  	_ =	shalt  }
0x77: {  	_ =	shalt  }
0x78: {  	_ =	shalt  }
0x79: {  	_ =	shalt  }
0x7a: {  	_ =	shalt  }
0x7b: {  	_ =	shalt  }
0x7c: {  	_ =	shalt  }
0x7d: {  	_ =	shalt  }
0x7e: {  	_ =	shalt  }
0x7f: {  	_ =	shalt  }
0x80: {  	_ =	shalt  }
0x81: {  	_ =	shalt  }
0x82: {  	_ =	shalt  }
0x83: {  	_ =	shalt  }
0x84: {  	_ =	shalt  }
0x85: {  	_ =	shalt  }
0x86: {  	_ =	shalt  }
0x87: {  	_ =	shalt  }
.Lfunc_end0:
.L_simem_size_0:
called_computation_lowered:
.L_overlay_start_0:
0x88: {  	s2 =	sld [smem:$0x3FD9]  }
0x89: {  	s3 =	sld [smem:$0x3FFE];
	_ =	sdelay $0x1  }
0x8a: {  	s1 =	srdreg.scid  }
0x8b: {  	s0 =	sand.u32 $0x1, s1  }
0x8c: {  	s14 =	sshll.u32 s0, $0xA;
	s2 =	sadd.s32 s3, s2  }
0x8d: {  	s2 =	sadd.s32 s2, s14  }
0x8e: {  	[smem:$0x3FC7] =	sst s2  }
0x8f: {  	_ = 	snop  }
0x90: {  	s2 =	sld [smem:$0x3FD0];
	_ =	sdelay $0x2  }
0x91: {  	s15 =	simm.s32 $0xA;
	s4 =	simm.s32 $0x10  }
0x92: {  	[smem:s4], [sflag:s15] =	dma.local [hbm:s2], $0x1  }
0x93: {  	_ =	swait.eq [sflag:s15], $0x1  }
0x94: {  	[sflag:s15] =	ssyncset.done $0x0  }
0x95: {  	[sflag:s15] =	ssyncadd.s32 $0xFFFFFFFF  }
0x96: {  	s16 =	sld [smem:$0x11];
	(tm) =	ssettm $0x1  }
0x97: {  	s17 =	sld [smem:$0x3FFB];
	_ =	sdelay $0x3  }
0x98: {  	_ =	strace s17  }
0x99: {  	s3 =	sld [smem:$0x3FFC];
	_ =	sdelay $0x3  }
0x9a: {  	_ =	strace s3  }
0x9b: {  	s3 =	sld [smem:$0x3FFD];
	_ =	sdelay $0x3  }
0x9c: {  	_ =	strace s3  }
0x9d: {  	_ =	strace $0x8FFFFFFF  }
0x9e: {  	s18 =	sld [smem:$0x3FDB];
	_ =	sdelay $0x1  }
0x9f: {  	s19 =	simm.s32 $_scs_section_size  }
0xa0: {  	s5 =	simm.s32 $_size__tile_overlayer_lowered;
	s6 =	simm.s32 $_tile_overlayer_lowered  }
0xa1: {  	s22 =	simm.s32 $0x1BFF;
	s21 =	sshll.u32 s6, $0x1;
	s3 =	sadd.s32 s19, s18  }
0xa2: {  	s7 =	simm.s32 $0x0;
	s20 =	sshll.u32 s5, $0x1;
	s5 =	sadd.s32 s21, s3  }
0xa3: {  	[timem:s7], [sflag:s22] =	dma.local [hbm:s5], s20  }
0xa4: {  	_ =	swait.ge [sflag:s22], s20  }
0xa5: {  	s4 =	ssub.s32 $0x0, s20;
	[sflag:s22] =	ssyncset.done $0x0  }
0xa6: {  	[sflag:s22] =	ssyncadd.s32 s4;
	_ =	sdelay $0x1  }
0xa7: {  	s23 =	simm.s32 $0x1B8B  }
0xa8: {  	_ =	swait.ge [sflag:s23], $0x1  }
0xa9: {  	[sflag:s23] =	ssyncset.done $0x0  }
0xaa: {  	s25 =	simm.s32 $0x1B8E;
	s24 =	sld [smem:$0x3FFE];
	[sflag:s23] =	ssyncadd.s32 $0xFFFFFFFF  }
0xab: {  	s26 =	simm.s32 $execute0_lowered;
	[smem:$0x3FD2] =	sst s25  }
0xac: {  	s5 =	sshll.u32 s26, $0x1;
	_ =	strace $0x80000046;
	[dreg:$0x1] =	wrdreg $0xFFFFFFFF  }
0xad: {  	s28 =	simm.s32 $_size_execute0_lowered;
	s3 =	sadd.s32 s3, s5;
	[dreg:$0x0] =	wrdreg $0x0  }
0xae: {  	s5 =	sshll.u32 s28, $0x1;
	[dreg:$0x2] =	wrdreg s3  }
0xaf: {  	[dreg:$0x3] =	wrdreg s5  }
0xb0: {  	[dreg:$0x4] =	wrdreg $0xC0  }
0xb1: {  	_ =	task [dreg:s7], $0x5FFFF  }
0xb2: {  	[dreg:$0x1] =	wrdreg $0xFFFFFFFF  }
0xb3: {  	[dreg:$0x0] =	wrdreg $0x60  }
0xb4: {  	[dreg:$0x2] =	wrdreg s24  }
0xb5: {  	[dreg:$0x3] =	wrdreg s16  }
0xb6: {  	[dreg:$0x4] =	wrdreg $0x9  }
0xb7: {  	_ =	task.clear_ibuf [dreg:s7], $0x5FFFF;
	_ =	strace $0x90000046  }
0xb8: {  	s29 =	simm.s32 $0x9;
	_ =	strace $0x80000048  }
0xb9: {  	_ =	swait.ge [sflag:s29], $0x1  }
0xba: {  	[sflag:s29] =	ssyncadd.s32 $0xFFFFFFFF  }
0xbb: {  	_ =	strace $0x90000048  }
0xbc: {  	_ =	sfence  }
0xbd: {  	s30 =	sld [smem:$0x0];
	_ =	sdelay $0x2  }
0xbe: {  	s31 =	sshll.u32 s1, $0xD;
	s1 =	sshrl.u32 s1, $0x2  }
0xbf: {  	s3 =	sand.u32 $0x4000, s31;
	s1 =	sadd.s32 s1, s30  }
0xc0: {  	s0 =	sor.u32 s3, s0;
	s1 =	sshll.u32 s1, $0x11  }
0xc1: {  	s0 =	sor.u32 s1, s0  }
0xc2: {  	s0 =	sadd.s32 $0x8F2B, s0  }
0xc3: {  	[sflag:s0] =	ssyncadd.remote.s32 $0x1  }
0xc4: {  	_ =	sfence.sel $0xFFFF  }
0xc5: {  	[dreg:$0x0] =	wrdreg $0xFFFFFFFF;
	(pc) =	sbr.abs _section_cstart, $3  }
0xc6: {  	[dreg:$0x1] =	wrdreg $0xFFFFFFFF  }
0xc7: {  	_ =	task.clear_ibuf [dreg:s7], $0x2FFFF;
	_ =	strace $0x9FFFFFFF  }
0xc8: {  	(tm) =	ssettm $0x7FFFFFFF  }
0xc9: {  	_ =	shalt  }
tec
execute0_lowered:
.L_overlay_start_1:
0x0: {  	(tag) =	ssettag $0x1  }
0x1: {  	s3 =	rddreg [dreg:$0x0]  }
0x2: {  	s4 =	rddreg [dreg:$0x1];
	s1 =	simm.s32 $0x0  }
0x3: {  	[smem:$0x7FF] =	sst s1  }
0x4: {  	s0 =	rddreg [dreg:$0x2];
	v0 =	vimm.s32 $0x80000000;
	_ =	strace $0x80000047  }
0x5: {  	(xrf0) =	vmax.scan.msk.u32 $0xffff, v0;
	_ =	sdelay $0x5  }
0x6: {  	v0, _, _ =	vpop (xrf0)  }
0x7: {  	(v2sf) =	vpush v0, $0xF;
	_ =	sdelay $0x8  }
0x8: {  	s2 =	stileid.u32  }
0x9: {  	p0 =	sgt.u32 s2, $0x7  }
.Ltmp0:
0xa: {  	_ = 	snop;
	(pc) =	sbr.rel @p0 .LBB2_17-.Ltmp0, $2  }
0xb: {  	_ =	sdelay $0x2  }
0xc: {  	s5 =	spop (v2sf)  }
0xd: {  	s6 =	srdreg.scid;
	s7 =	sshrl.u32 s2, $0x2  }
0xe: {  	s8 =	sshll.u32 s2, $0x8;
	s11 =	sadd.s32 $0x600, s3;
	s3 =	sxor.u32 $0x80000000, s5  }
0xf: {  	s6 =	sand.u32 $0x1, s6;
	s8 =	sand.u32 $0x300, s8;
	s10 =	smul.u32 $0x8400, s7  }
0x10: {  	s7 =	sshll.u32 s7, $0x10;
	s9 =	sshll.u32 s6, $0x7;
	s6 =	ssub.s32 $0x2, s6  }
.Ltmp1:
0x11: {  	s8 =	sor.u32 s9, s8;
	s30 =	sshrl.u32 s6, $0x1;
	(pc) =	sbr.rel .LBB2_2-.Ltmp1, $4  }
0x12: {  	s9 =	simm.s32 $0x1;
	s29 =	sor.u32 s10, s8;
	s7 =	sor.u32 s7, s8  }
0x13: {  	s6 =	ssub.s32 s6, s30;
	s8 =	simm.s32 $0x400;
	s10 =	simm.s32 $0x2000  }
0x14: {  	v2 =	vimm.s32 $0x66;
	vm0 =	vcmask $0x300;
	s5 =	sshrl.u32 s29, $0x3;
	s31 =	sshrl.u32 s7, $0x3;
	s6 =	smax.u32 s6, $0x1  }
0x15: {  	v0 =	vlaneseq.u32;
	v1 =	vimm.s32 $0x0;
	v2 =	vsel vm0, $0x65, v2;
	s7 =	simm.s32 $0x80;
	s4 =	sadd.s32 s4, s5;
	s5 =	sadd.s32 s11, s31  }
.LBB2_16:
0x16: {  	s11 =	sadd.s32 $0x2, s13  }
0x17: {  	vm0 =	veq.s32 v0, $0x0;
	v3 =	vmov s11  }
0x18: {  	vm15 =	veq.s32 v0, $0x1;
	v3 =	vsel vm0, $0x0, v3  }
0x19: {  	v3 =	vsel vm15, s12, v3;
	_ =	sdelay $0x2  }
0x1a: {  	s1 =	sadd.s32 $0x1, s1  }
0x1b: {  	p0 =	sne.s32 s1, s6  }
.Ltmp2:
0x1c: {  	[tilespmem:v3+s10+$0x0] =	vst.idx.msk $0x7, v2;
	(pc) =	sbr.rel @!p0 .LBB2_17-.Ltmp2, $4  }
0x1d: {  	[hbm4b:s4+s7] =	stream.strided.scatter [tilespmem:s10], [sflag:$0x1], $0x1080, s8, s7, $0x38;
	[tilespmem:$0x3080] =	vst v63  }
0x1e: {  	_ =	swait.ge [sflag:s9], $0x1080  }
0x1f: {  	[sflag:s9] =	ssyncset.done $0x0  }
0x20: {  	[sflag:s9] =	ssyncadd.s32 $0xFFFFEF80  }
.LBB2_2:
0x21: {  	s15 =	simm.s32 $0x0  }
0x22: {  	[tilespmem:s15], [sflag:$0x1] =	stream.strided.gather [hbm4b:s5+s7], $0x2000, s8, s7, $0x38;
	[tilespmem:$0x3080] =	vst v63  }
0x23: {  	_ =	swait.ge [sflag:s9], $0x2000  }
0x24: {  	[sflag:s9] =	ssyncset.done $0x0  }
0x25: {  	s14 =	simm.s32 $0x40;
	s12 =	simm.s32 $0x0;
	[sflag:s9] =	ssyncadd.s32 $0xFFFFE000  }
.LBB2_3:
0x26: {  	v3 =	vld [tilespmem:s14+$0xFFFFFFC0]  }
0x27: {  	v4 =	vld [tilespmem:s14+$0xFFFFFFD0]  }
0x28: {  	v5 =	vld [tilespmem:s14+$0xFFFFFFE0]  }
0x29: {  	v6 =	vld [tilespmem:s14+$0xFFFFFFF0]  }
0x2a: {  	v7 =	vld [tilespmem:s14+$0x0]  }
0x2b: {  	v8 =	vld [tilespmem:s14+$0x10]  }
0x2c: {  	vm0 =	vne.s32 v3, $0x0;
	vm1 =	vne.s32 v4, $0x0;
	v3 =	vld [tilespmem:s14+$0x20]  }
0x2d: {  	v61 =	vld [tilespmem:s14+$0x30];
	vm10 =	vne.s32 v5, $0x0;
	v60 =	vmpcnt.ones.xlane vm0;
	v9 =	vmpcnt.ones.xlane vm1  }
0x2e: {  	vm11 =	vne.s32 v6, $0x0;
	v10 =	vmpcnt.ones.xlane vm10  }
0x2f: {  	vm12 =	vne.s32 v7, $0x0;
	v6 =	vmpcnt.ones.xlane vm11;
	v4 =	vadd.s32 v60, v9  }
0x30: {  	vm13 =	vne.s32 v8, $0x0;
	v7 =	vmpcnt.ones.xlane vm12;
	v4 =	vadd.s32 v10, v4  }
0x31: {  	v62 =	vmpcnt.ones.xlane vm13;
	v4 =	vadd.s32 v6, v4;
	vm14 =	vne.s32 v3, $0x0  }
0x32: {  	vm15 =	vne.s32 v61, $0x0;
	v3 =	vadd.s32 v7, v4;
	v63 =	vmpcnt.ones.xlane vm14  }
0x33: {  	v5 =	vmpcnt.ones.xlane vm15;
	v3 =	vadd.s32 v62, v3  }
0x34: {  	v3 =	vadd.s32 v63, v3  }
0x35: {  	v3 =	vadd.s32 v5, v3  }
0x36: {  	v3 =	vxor.u32 $0x80000000, v3  }
0x37: {  	(xrf0) =	vmax.scan.msk.u32 $0xffff, v3;
	_ =	sdelay $0x5  }
0x38: {  	v3, _, _ =	vpop (xrf0)  }
0x39: {  	(v2sf) =	vpush v3, $0xF;
	_ =	sdelay $0xe  }
0x3a: {  	s11 =	spop (v2sf)  }
0x3b: {  	s11 =	sadd.s32 s11, s12  }
0x3c: {  	p0 =	sgt.u32 s15, $0xF7;
	s12 =	sadd.s32 $0x80000000, s11  }
0x3d: {  	p1 =	slt.s32 @!p0 s12, $0x800  }
0x3e: {  	p1 =	por p0, !p1  }
.Ltmp3:
0x3f: {  	_ = 	snop;
	(pc) =	sbr.rel @!p1 .LBB2_3-.Ltmp3, $4  }
0x40: {  	_ = 	snop  }
0x41: {  	s15 =	sadd.s32 $0x8, s15;
	s13 =	simm.s32 $0x0  }
0x42: {  	s16 =	simm.s32 $0x0;
	s13 =	simm.s32 @p0 $0x0;
	s11 =	simm.s32 $0x1070  }
0x43: {  	s16 =	simm.s32 @p0 $0x0;
	s14 =	sadd.s32 $0x80, s14;
	s11 =	simm.s32 @p0 $0x1070  }
.LBB2_4:
0x44: {  	v3 =	vld [tilespmem:s11+$0xFFFFFF90]  }
0x45: {  	v4 =	vld [tilespmem:s11+$0xFFFFFFA0]  }
0x46: {  	v5 =	vld [tilespmem:s11+$0xFFFFFFB0]  }
0x47: {  	v6 =	vld [tilespmem:s11+$0xFFFFFFC0]  }
0x48: {  	v7 =	vld [tilespmem:s11+$0xFFFFFFD0]  }
0x49: {  	v8 =	vld [tilespmem:s11+$0xFFFFFFE0]  }
0x4a: {  	vm0 =	vne.s32 v3, $0x0;
	vm1 =	vne.s32 v4, $0x0;
	v3 =	vld [tilespmem:s11+$0xFFFFFFF0]  }
0x4b: {  	v61 =	vld [tilespmem:s11+$0x0];
	vm10 =	vne.s32 v5, $0x0;
	v60 =	vmpcnt.ones.xlane vm0;
	v9 =	vmpcnt.ones.xlane vm1  }
0x4c: {  	vm11 =	vne.s32 v6, $0x0;
	v10 =	vmpcnt.ones.xlane vm10  }
0x4d: {  	vm12 =	vne.s32 v7, $0x0;
	v6 =	vmpcnt.ones.xlane vm11;
	v4 =	vadd.s32 v60, v9  }
0x4e: {  	vm13 =	vne.s32 v8, $0x0;
	v7 =	vmpcnt.ones.xlane vm12;
	v4 =	vadd.s32 v10, v4  }
0x4f: {  	v62 =	vmpcnt.ones.xlane vm13;
	v4 =	vadd.s32 v6, v4;
	vm14 =	vne.s32 v3, $0x0  }
0x50: {  	vm15 =	vne.s32 v61, $0x0;
	v3 =	vadd.s32 v7, v4;
	v63 =	vmpcnt.ones.xlane vm14  }
0x51: {  	v5 =	vmpcnt.ones.xlane vm15;
	v3 =	vadd.s32 v62, v3  }
0x52: {  	v3 =	vadd.s32 v63, v3  }
0x53: {  	v3 =	vadd.s32 v5, v3  }
0x54: {  	v3 =	vxor.u32 $0x80000000, v3  }
0x55: {  	(xrf0) =	vmax.scan.msk.u32 $0xffff, v3;
	_ =	sdelay $0x5  }
0x56: {  	v3, _, _ =	vpop (xrf0)  }
0x57: {  	(v2sf) =	vpush v3, $0xF;
	_ =	sdelay $0xe  }
0x58: {  	s14 =	spop (v2sf)  }
0x59: {  	s13 =	sadd.s32 s14, s13  }
0x5a: {  	p0 =	sgt.u32 s16, $0xF7;
	s13 =	sadd.s32 $0x80000000, s13  }
0x5b: {  	p1 =	slt.s32 @!p0 s13, $0x800  }
0x5c: {  	p0 =	por p0, !p1  }
.Ltmp4:
0x5d: {  	_ = 	snop;
	(pc) =	sbr.rel @!p0 .LBB2_4-.Ltmp4, $2  }
0x5e: {  	_ =	sdelay $0x2  }
0x5f: {  	s16 =	sadd.s32 $0x8, s16;
	s11 =	sadd.s32 $0x80, s11  }
0x60: {  	s11 =	sshll.u32 s13, $0x1  }
0x61: {  	s14 =	ssub.s32 $0x800, s13;
	s31 =	sshll.u32 s12, $0x1;
	p0 =	sgt.s32 s11, $0x7FF  }
0x62: {  	s11 =	ssub.s32 $0x800, s12;
	s14 =	simm.s32 @p0 $0x400;
	p0 =	sgt.s32 s31, $0x7FF  }
0x63: {  	s11 =	simm.s32 @p0 $0x400;
	p0 =	slt.s32 s12, s14  }
0x64: {  	s14 =	smov.u32 @p0 s12;
	p0 =	slt.s32 s13, s11  }
0x65: {  	s11 =	smov.u32 @p0 s13;
	s15 =	sadd.s32 $0x2, s14  }
0x66: {  	s16 =	simm.s32 $0x0;
	s12 =	sadd.s32 $0x1, s14;
	s13 =	sadd.s32 s11, s15  }
0x67: {  	v5 =	vor.u32 s16, v0;
	v3 =	vmov s12;
	v4 =	vmov s13  }
0x68: {  	vm0 =	vgt.s32 v5, v3;
	vm1 =	vle.s32 v5, v4  }
0x69: {  	vm0 =	vmand vm0, vm1  }
0x6a: {  	s13 =	simm.s32 $0x2810;
	v5 =	vsel vm0, $0x1, v1  }
0x6b: {  	s16 =	simm.s32 $0x10;
	[tilespmem:s13+$0x0] =	vst v5  }
.LBB2_6:
0x6c: {  	p0 =	sne.s32 s16, $0x800  }
.Ltmp5:
0x6d: {  	v5 =	vor.u32 s16, v0;
	s16 =	sadd.s32 $0x10, s16;
	(pc) =	sbr.rel @p0 .LBB2_6-.Ltmp5, $4  }
0x6e: {  	vm0 =	vgt.s32 v5, v3;
	vm1 =	vle.s32 v5, v4  }
0x6f: {  	vm0 =	vmand vm0, vm1  }
0x70: {  	s13 =	sadd.s32 $0x10, s13;
	v5 =	vsel vm0, $0x1, v1  }
0x71: {  	[tilespmem:s13+$0x0] =	vst v5  }
0x72: {  	s13 =	sadd.s32 s11, s14  }
0x73: {  	s16 =	sadd.s32 $0x3, s13  }
0x74: {  	s17 =	sand.u32 $0xF, s16  }
0x75: {  	s18 =	sshra.s32 s16, $0x1F;
	p0 =	slt.s32 s16, $0x1;
	p1 =	sne.s32 s17, $0x0  }
0x76: {  	s31 =	sshrl.u32 s18, $0x1C;
	p0 =	por !p0, !p1  }
0x77: {  	s17 =	simm.s32 $0x1;
	s16 =	sadd.s32 s31, s16;
	p0 =	por !p0, !p0  }
0x78: {  	s16 =	sshra.s32 s16, $0x4;
	s17 =	simm.s32 @!p0 $0x0  }
0x79: {  	s16 =	ssub.s32 s16, s17  }
0x7a: {  	p0 =	sgt.s32 s16, $0x80  }
.Ltmp6:
0x7b: {  	_ = 	snop;
	(pc) =	sbr.rel @p0 .LBB2_10-.Ltmp6, $1  }
0x7c: {  	_ =	sdelay $0x3  }
0x7d: {  	s31 =	ssub.s32 $0x81, s16  }
0x7e: {  	p0 =	seq.s32 s31, $0x1  }
.Ltmp7:
0x7f: {  	_ = 	snop;
	(pc) =	sbr.rel @p0 .LBB2_10-.Ltmp7, $4  }
0x80: {  	s17 =	sshll.u32 s16, $0x6  }
0x81: {  	s18 =	sshra.s32 s17, $0x2  }
0x82: {  	s16 =	sadd.s32 $0x2000, s18  }
0x83: {  	s17 =	sadd.s32 $0xFFFFFFFF, s31;
	[tilespmem:s16+$0x0] =	vst v1  }
.LBB2_9:
0x84: {  	p0 =	seq.s32 s17, $0x1  }
.Ltmp8:
0x85: {  	_ = 	snop;
	(pc) =	sbr.rel @!p0 .LBB2_9-.Ltmp8, $3  }
0x86: {  	_ =	sdelay $0x1  }
0x87: {  	s17 =	sadd.s32 $0xFFFFFFFF, s17;
	s16 =	sadd.s32 $0x10, s16  }
0x88: {  	[tilespmem:s16+$0x0] =	vst v1  }
.LBB2_10:
0x89: {  	p0 =	sge.s32 s3, s14  }
.Ltmp9:
0x8a: {  	_ = 	snop;
	(pc) =	sbr.rel @p0 .LBB2_13-.Ltmp9, $1  }
0x8b: {  	_ =	sdelay $0x3  }
0x8c: {  	v3 =	vmov s14;
	s17 =	simm.s32 $0x0;
	v4 =	vimm.s32 $0x0;
	s16 =	simm.s32 $0x20  }
.LBB2_12:
0x8d: {  	v5 =	vld [tilespmem:s16+$0xFFFFFFE0];
	_ =	sdelay $0x4  }
0x8e: {  	vm0 =	vne.s32 v5, $0x0  }
0x8f: {  	v6 =	vsel vm0, $0x1, v1  }
0x90: {  	(xrf0) =	vadd.scan.msk.s32 $0xffff, v6;
	_ =	sdelay $0x5  }
0x91: {  	v6, _, _ =	vpop (xrf0)  }
0x92: {  	v6 =	vadd.s32 v4, v6  }
0x93: {  	vm1 =	vle.s32 v6, v3  }
0x94: {  	vm1 =	vmand vm0, vm1;
	_ =	sdelay $0x5  }
0x95: {  	[tilespmem:v6+s10+$0x0] =	vst.idx.msk vm1, v5  }
0x96: {  	v5 =	vld [tilespmem:s16+$0xFFFFFFF0];
	_ =	sdelay $0x4  }
0x97: {  	vm10 =	vne.s32 v5, $0x0  }
0x98: {  	v6 =	vsel vm10, $0x1, v1  }
0x99: {  	(xrf0) =	vadd.scan.msk.s32 $0xffff, v6;
	_ =	sdelay $0x1  }
0x9a: {  	v6 =	vmpcnt.ones.xlane vm0;
	_ =	sdelay $0x3  }
0x9b: {  	v4 =	vadd.s32 v4, v6;
	v6, _, _ =	vpop (xrf0)  }
0x9c: {  	v6 =	vadd.s32 v4, v6  }
0x9d: {  	vm11 =	vle.s32 v6, v3  }
0x9e: {  	vm0 =	vmand vm10, vm11;
	_ =	sdelay $0x5  }
0x9f: {  	[tilespmem:v6+s10+$0x0] =	vst.idx.msk vm0, v5  }
0xa0: {  	v5 =	vld [tilespmem:s16+$0x0];
	_ =	sdelay $0x4  }
0xa1: {  	vm12 =	vne.s32 v5, $0x0  }
0xa2: {  	v6 =	vsel vm12, $0x1, v1  }
0xa3: {  	(xrf0) =	vadd.scan.msk.s32 $0xffff, v6;
	_ =	sdelay $0x1  }
0xa4: {  	v6 =	vmpcnt.ones.xlane vm10;
	_ =	sdelay $0x3  }
0xa5: {  	v4 =	vadd.s32 v4, v6;
	v6, _, _ =	vpop (xrf0)  }
0xa6: {  	v6 =	vadd.s32 v4, v6  }
0xa7: {  	vm13 =	vle.s32 v6, v3  }
0xa8: {  	vm1 =	vmand vm12, vm13;
	_ =	sdelay $0x5  }
0xa9: {  	[tilespmem:v6+s10+$0x0] =	vst.idx.msk vm1, v5  }
0xaa: {  	v5 =	vld [tilespmem:s16+$0x10];
	_ =	sdelay $0x4  }
0xab: {  	v6 =	vmpcnt.ones.xlane vm12;
	vm14 =	vne.s32 v5, $0x0  }
0xac: {  	v7 =	vmpcnt.ones.xlane vm14  }
0xad: {  	v6 =	vadd.s32 v4, v6  }
0xae: {  	v8 =	vsel vm14, $0x1, v1;
	v4 =	vadd.s32 v6, v7  }
0xaf: {  	(xrf0) =	vadd.scan.msk.s32 $0xffff, v8;
	v7 =	vxor.u32 $0x80000000, v4  }
0xb0: {  	(xrf0) =	vmax.scan.msk.u32 $0xffff, v7;
	_ =	sdelay $0x4  }
0xb1: {  	v7, _, _ =	vpop (xrf0)  }
0xb2: {  	v63, _, _ =	vpop (xrf0)  }
0xb3: {  	(v2sf) =	vpush v63, $0xF;
	_ =	sdelay $0xe  }
0xb4: {  	v6 =	vadd.s32 v6, v7;
	s18 =	spop (v2sf)  }
0xb5: {  	p0 =	sgt.u32 s17, $0xFB;
	vm15 =	vle.s32 v6, v3;
	s18 =	sxor.u32 $0x80000000, s18  }
0xb6: {  	vm0 =	vmand vm14, vm15;
	p1 =	slt.s32 @!p0 s18, s14  }
0xb7: {  	p0 =	por p0, !p1  }
.Ltmp10:
0xb8: {  	_ = 	snop;
	(pc) =	sbr.rel @!p0 .LBB2_12-.Ltmp10, $2  }
0xb9: {  	_ =	sdelay $0x2  }
0xba: {  	s17 =	sadd.s32 $0x4, s17;
	s16 =	sadd.s32 $0x40, s16;
	[tilespmem:v6+s10+$0x0] =	vst.idx.msk vm0, v5  }
.LBB2_13:
0xbb: {  	p0 =	sge.s32 s3, s11  }
.Ltmp11:
0xbc: {  	_ = 	snop;
	(pc) =	sbr.rel @p0 .LBB2_16-.Ltmp11, $1  }
0xbd: {  	_ =	sdelay $0x3  }
0xbe: {  	v3 =	vmov s15  }
0xbf: {  	v3 =	vadd.s32 $0xFFFFFFFF, v3  }
0xc0: {  	v4 =	vmov s11;
	v5 =	vimm.s32 $0x0;
	s14 =	simm.s32 $0x1030;
	s16 =	simm.s32 $0x0;
	s15 =	simm.s32 $0x0;
	v3 =	vbroadcast v3, $0x0  }
.LBB2_15:
0xc1: {  	s17 =	sand.u32 $0xFC0, s15  }
0xc2: {  	v6 =	vld [tilespmem:s17+$0x1000];
	_ =	sdelay $0x4  }
0xc3: {  	vm0 =	vne.s32 v6, $0x0  }
0xc4: {  	v7 =	vsel vm0, $0x1, v1  }
0xc5: {  	(xrf0) =	vadd.scan.msk.s32 $0xffff, v7;
	_ =	sdelay $0x5  }
0xc6: {  	v7, _, _ =	vpop (xrf0)  }
0xc7: {  	v7 =	vadd.s32 v5, v7  }
0xc8: {  	vm1 =	vle.s32 v7, v4  }
0xc9: {  	vm1 =	vmand vm0, vm1  }
0xca: {  	v7 =	vadd.s32 v7, v3;
	_ =	sdelay $0x4  }
0xcb: {  	[tilespmem:v7+s10+$0x0] =	vst.idx.msk vm1, v6  }
0xcc: {  	v6 =	vld [tilespmem:s14+$0xFFFFFFE0];
	_ =	sdelay $0x4  }
0xcd: {  	vm10 =	vne.s32 v6, $0x0  }
0xce: {  	v7 =	vsel vm10, $0x1, v1  }
0xcf: {  	(xrf0) =	vadd.scan.msk.s32 $0xffff, v7;
	_ =	sdelay $0x1  }
0xd0: {  	v7 =	vmpcnt.ones.xlane vm0;
	_ =	sdelay $0x3  }
0xd1: {  	v5 =	vadd.s32 v5, v7;
	v7, _, _ =	vpop (xrf0)  }
0xd2: {  	v7 =	vadd.s32 v5, v7  }
0xd3: {  	vm11 =	vle.s32 v7, v4  }
0xd4: {  	vm0 =	vmand vm10, vm11  }
0xd5: {  	v7 =	vadd.s32 v7, v3;
	_ =	sdelay $0x4  }
0xd6: {  	[tilespmem:v7+s10+$0x0] =	vst.idx.msk vm0, v6  }
0xd7: {  	v6 =	vld [tilespmem:s14+$0xFFFFFFF0];
	_ =	sdelay $0x4  }
0xd8: {  	vm12 =	vne.s32 v6, $0x0  }
0xd9: {  	v7 =	vsel vm12, $0x1, v1  }
0xda: {  	(xrf0) =	vadd.scan.msk.s32 $0xffff, v7;
	_ =	sdelay $0x1  }
0xdb: {  	v7 =	vmpcnt.ones.xlane vm10;
	_ =	sdelay $0x3  }
0xdc: {  	v5 =	vadd.s32 v5, v7;
	v7, _, _ =	vpop (xrf0)  }
0xdd: {  	v7 =	vadd.s32 v5, v7  }
0xde: {  	vm13 =	vle.s32 v7, v4  }
0xdf: {  	vm1 =	vmand vm12, vm13  }
0xe0: {  	v7 =	vadd.s32 v7, v3;
	_ =	sdelay $0x4  }
0xe1: {  	[tilespmem:v7+s10+$0x0] =	vst.idx.msk vm1, v6  }
0xe2: {  	v6 =	vld [tilespmem:s14+$0x0];
	_ =	sdelay $0x4  }
0xe3: {  	v7 =	vmpcnt.ones.xlane vm12;
	vm14 =	vne.s32 v6, $0x0  }
0xe4: {  	v8 =	vmpcnt.ones.xlane vm14  }
0xe5: {  	v7 =	vadd.s32 v5, v7  }
0xe6: {  	v9 =	vsel vm14, $0x1, v1;
	v5 =	vadd.s32 v7, v8  }
0xe7: {  	(xrf0) =	vadd.scan.msk.s32 $0xffff, v9;
	v8 =	vxor.u32 $0x80000000, v5  }
0xe8: {  	(xrf0) =	vmax.scan.msk.u32 $0xffff, v8;
	_ =	sdelay $0x4  }
0xe9: {  	v62, _, _ =	vpop (xrf0)  }
0xea: {  	v63, _, _ =	vpop (xrf0)  }
0xeb: {  	(v2sf) =	vpush v63, $0xF;
	_ =	sdelay $0xe  }
0xec: {  	v7 =	vadd.s32 v7, v62;
	s31 =	spop (v2sf)  }
0xed: {  	p0 =	sgt.u32 s16, $0xFB;
	vm15 =	vle.s32 v7, v4;
	s17 =	sxor.u32 $0x80000000, s31  }
0xee: {  	vm0 =	vmand vm14, vm15;
	p1 =	slt.s32 @!p0 s17, s11  }
0xef: {  	v7 =	vadd.s32 v7, v3;
	p0 =	por p0, !p1  }
.Ltmp12:
0xf0: {  	_ = 	snop;
	(pc) =	sbr.rel @!p0 .LBB2_15-.Ltmp12, $2  }
0xf1: {  	_ =	sdelay $0x2  }
0xf2: {  	s16 =	sadd.s32 $0x4, s16;
	s15 =	sadd.s32 $0x40, s15;
	s14 =	sadd.s32 $0x40, s14;
	[tilespmem:v7+s10+$0x0] =	vst.idx.msk vm0, v6  }
.Ltmp13:
0xf3: {  	_ = 	snop;
	(pc) =	sbr.rel .LBB2_16-.Ltmp13, $1  }
0xf4: {  	_ =	sdelay $0x3  }
.LBB2_17:
0xf5: {  	_ =	sfence.sel $0x180000  }
0xf6: {  	[bflag:$0x0] =	sbarrier.arrive $0xFFFF  }
0xf7: {  	p0 =	sne.s32 s2, $0x0;
	_ =	strace $0x90000047  }
0xf8: {  	s0 =	sadd.s32 @!p0 $0x100000, s0;
	[bflag:$0x2] =	sbarrier.arrive $0xFFFF  }
0xf9: {  	[sflag:s0] =	ssyncadd.tile.s32 @!p0 $0x1;
	_ =	shalt  }
.Lfunc_end2:
_tile_overlayer_lowered:
.L_overlay_start_2:
0xfa: {  	(tag) =	ssettag $0x2  }
0xfb: {  	s0 =	rddreg [dreg:$0x0];
	s2 =	stileid.u32  }
0xfc: {  	s1 =	rddreg [dreg:$0x1];
	p0 =	sne.s32 s2, $0x0  }
0xfd: {  	s3 =	rddreg [dreg:$0x2];
	[bflag:$0x3] =	sbarrier.arrive $0xFFFF;
	s2 =	simm.s32 @!p0 $0x1C01  }
0xfe: {  	[timem:s3], [sflag:s2] =	dma.local @!p0 [hbm:s0], s1  }
0xff: {  	s0 =	simm.s32 @!p0 $0x1  }
0x100: {  	_ =	swait.ge @!p0 [sflag:s0], s1  }
0x101: {  	s1 =	ssub.s32 @!p0 $0x0, s1;
	[sflag:s0] =	ssyncset.done @!p0 $0x0  }
0x102: {  	[sflag:s0] =	ssyncadd.s32 @!p0 s1  }
0x103: {  	[bflag:$0x3] =	sbarrier.arrive $0xFFFF  }
0x104: {  	_ =	shalt  }

</sc_bundles>
